<compile_context>
chip_gen: v7x
topology: tpu7x:2x2x1
jax: 0.10.2.dev20260603
libtpu: 0.0.44.dev20260713+nightly
codegen_flags: <defaults>
</compile_context>

<pallas_src>
import jax
import jax.numpy as jnp
from jax import lax
from jax.experimental import pallas as pl
from jax.experimental.pallas import tpu as pltpu
from jax.experimental.pallas import tpu_sc as plsc

N_EDGES = 1600000
D = 32
N0, N1, N2 = 22, 6, 2
NT = N0 * N1 * N2
NC, NS, L = 2, 16, 16
NW = NC * NS

ET = 128
N_TILES = N_EDGES // ET
TR = D // 8
CT = 5
CHUNK = CT * ET
N_CHUNKS = N_TILES // CT
GROUPS = CHUNK // L
CH_ROW = CT * 1024
NJ = (N_CHUNKS // NW + 2) // 2
TP = D + 1


def _body(p_hbm, emb0_hbm, emb1_hbm, emb2_hbm, out_hbm,
          p_v0, p_v1, out_v0, out_v1,
          t_v, e0_v, e1_v, e2_v, in_sem0, in_sem1, out_sem0, out_sem1):
    wid = lax.axis_index("s") * NC + lax.axis_index("c")
    n_mine = (N_CHUNKS - wid + NW - 1) // NW

    bufs = ((p_v0, out_v0, in_sem0, out_sem0),
            (p_v1, out_v1, in_sem1, out_sem1))

    def chunk_of(j):
        return wid + j * NW

    def start_in(j, b):
        p_v, _, in_sem, _ = bufs[b]
        base = chunk_of(j) * CHUNK
        pltpu.async_copy(p_hbm.at[pl.ds(base, CHUNK)], p_v, in_sem)

    def wait_in(b):
        p_v, _, in_sem, _ = bufs[b]
        pltpu.make_async_copy(p_hbm.at[pl.ds(0, CHUNK)], p_v, in_sem).wait()

    def start_out(j, b):
        _, out_v, _, out_sem = bufs[b]
        k = chunk_of(j)
        for tr in range(TR):
            pltpu.async_copy(
                out_v.at[pl.ds(tr * CH_ROW, CH_ROW)],
                out_hbm.at[pl.ds((tr * N_TILES + k * CT) * 1024, CH_ROW)],
                out_sem)

    def wait_out(b):
        _, out_v, _, out_sem = bufs[b]
        for tr in range(TR):
            pltpu.make_async_copy(
                out_v.at[pl.ds(tr * CH_ROW, CH_ROW)],
                out_hbm.at[pl.ds(tr * CH_ROW, CH_ROW)],
                out_sem).wait()

    def compute(b):
        p_v, out_v, _, _ = bufs[b]

        def do_group(i, c2):
            eoff = i * L
            p = p_v[pl.ds(eoff, L)]
            a0 = p & 0xFF
            a1 = (p >> 8) & 0xFF
            a2 = p >> 16
            rD = (a0 * (N1 * N2) + a1 * N2 + a2) * TP
            sbase = (i // (ET // L)) * 1024 + (i % (ET // L)) * L
            for half in (0, 16):
                vs = [plsc.load_gather(t_v, [rD + half + dd]) for dd in range(16)]
                for dd in range(16):
                    d = half + dd
                    out_v[pl.ds(sbase + (d // 8) * CH_ROW + (d % 8) * ET, L)] = vs[dd]
            return c2

        lax.fori_loop(0, GROUPS, do_group, 0)

    start_in(0, 0)
    start_in(1, 1)

    pltpu.sync_copy(emb0_hbm, e0_v)
    pltpu.sync_copy(emb1_hbm, e1_v)
    pltpu.sync_copy(emb2_hbm, e2_v)

    def build_row(jr, carry):
        a0 = jr // (N1 * N2)
        rem = jr - a0 * (N1 * N2)
        a1 = rem // N2
        a2 = rem - a1 * N2
        for h in (0, 16):
            t_v[pl.ds(jr * TP + h, 16)] = (
                e0_v[pl.ds(a0 * D + h, 16)]
                + e1_v[pl.ds(a1 * D + h, 16)]
                + e2_v[pl.ds(a2 * D + h, 16)]
            )
        return carry

    lax.fori_loop(0, NT, build_row, 0)

    def outer(jj, carry):
        for b in (0, 1):
            j = jj * 2 + b

            @pl.when(j < n_mine)
            def _():
                wait_in(b)

                @pl.when(j >= 2)
                def _():
                    wait_out(b)

                compute(b)
                start_out(j, b)

                @pl.when(j + 2 < n_mine)
                def _():
                    start_in(j + 2, b)
        return carry

    lax.fori_loop(0, NJ, outer, 0)
    wait_out(0)
    wait_out(1)


@jax.jit
def kernel(edge_attr, emb0, emb1, emb2):
    mesh = plsc.VectorSubcoreMesh(core_axis_name="c", subcore_axis_name="s")
    k = pl.kernel(
        _body,
        out_type=jax.ShapeDtypeStruct((N_EDGES * D,), jnp.float32),
        mesh=mesh,
        compiler_params=pltpu.CompilerParams(needs_layout_passes=False,
                                             use_tc_tiling_on_sc=False),
        scratch_types=[
            pltpu.VMEM((CHUNK,), jnp.int32),
            pltpu.VMEM((CHUNK,), jnp.int32),
            pltpu.VMEM((TR * CH_ROW,), jnp.float32),
            pltpu.VMEM((TR * CH_ROW,), jnp.float32),
            pltpu.VMEM((NT * TP,), jnp.float32),
            pltpu.VMEM((N0 * D,), jnp.float32),
            pltpu.VMEM((N1 * D,), jnp.float32),
            pltpu.VMEM((N2 * D,), jnp.float32),
            pltpu.SemaphoreType.DMA,
            pltpu.SemaphoreType.DMA,
            pltpu.SemaphoreType.DMA,
            pltpu.SemaphoreType.DMA,
        ],
    )
    packed = (edge_attr[:, 0] | (edge_attr[:, 1] << 8) | (edge_attr[:, 2] << 16))
    flat = k(packed, emb0.reshape(-1), emb1.reshape(-1), emb2.reshape(-1))
    x4 = flat.reshape(TR, N_TILES, 8, ET)
    return jnp.transpose(x4, (1, 3, 0, 2)).reshape(N_EDGES, D)

# --- scband reference (transcript-rebuilt; emitter-appended) ---
"""Pipeline reference for scband-bond-encoder-43104291783129 (READ-ONLY COPY).

The authoritative reference and input builder live on the scoring server;
editing this copy changes nothing except your own understanding.
"""

import jax, jax.numpy as jnp
import numpy as np

NUM_EDGE_CATEGORIES = [22, 6, 2]  # PyG smiles e_map: bond_type, stereo, is_conjugated
EMBED_DIM = 32
N_EDGES = 1600000

def setup_inputs(seed: int = 0) -> dict:
    key = jax.random.key(seed)
    k_idx, k0, k1, k2 = jax.random.split(key, 4)
    edge_attr = jax.random.randint(k_idx, (N_EDGES, 3), 0, 2, dtype=jnp.int64 if jax.config.jax_enable_x64 else jnp.int32)
    emb0 = jax.random.normal(k0, (NUM_EDGE_CATEGORIES[0], EMBED_DIM), dtype=jnp.float32)
    emb1 = jax.random.normal(k1, (NUM_EDGE_CATEGORIES[1], EMBED_DIM), dtype=jnp.float32)
    emb2 = jax.random.normal(k2, (NUM_EDGE_CATEGORIES[2], EMBED_DIM), dtype=jnp.float32)
    return {"edge_attr": edge_attr, "emb0": emb0, "emb1": emb1, "emb2": emb2}

def reference(edge_attr, emb0, emb1, emb2):
    # BondEncoder.forward: out = sum_i embeddings[i](edge_attr[:, i])
    out = jnp.take(emb0, edge_attr[:, 0], axis=0)
    out = out + jnp.take(emb1, edge_attr[:, 1], axis=0)
    out = out + jnp.take(emb2, edge_attr[:, 2], axis=0)
    return out

if __name__ == "__main__":
    import jax
    _d = setup_inputs()
    print(jax.jit(kernel)(*tuple(_d.values())))

</pallas_src>

<mosaic_0001>
#map = affine_map<(d0, d1) -> (0)>
module attributes {stable_mosaic.version = 14 : i64} {
  func.func @_body(%arg0: i32, %arg1: i32, %arg2: memref<1600000xi32, #tpu.memory_space<hbm>>, %arg3: memref<704xf32, #tpu.memory_space<hbm>>, %arg4: memref<192xf32, #tpu.memory_space<hbm>>, %arg5: memref<64xf32, #tpu.memory_space<hbm>>, %arg6: memref<51200000xf32, #tpu.memory_space<hbm>>, %arg7: memref<640xi32, #tpu.memory_space<vmem>>, %arg8: memref<640xi32, #tpu.memory_space<vmem>>, %arg9: memref<20480xf32, #tpu.memory_space<vmem>>, %arg10: memref<20480xf32, #tpu.memory_space<vmem>>, %arg11: memref<8712xf32, #tpu.memory_space<vmem>>, %arg12: memref<704xf32, #tpu.memory_space<vmem>>, %arg13: memref<192xf32, #tpu.memory_space<vmem>>, %arg14: memref<64xf32, #tpu.memory_space<vmem>>, %arg15: memref<!tpu.dma_semaphore, #tpu.memory_space<semaphore_mem>>, %arg16: memref<!tpu.dma_semaphore, #tpu.memory_space<semaphore_mem>>, %arg17: memref<!tpu.dma_semaphore, #tpu.memory_space<semaphore_mem>>, %arg18: memref<!tpu.dma_semaphore, #tpu.memory_space<semaphore_mem>>) attributes {dimension_semantics = [#tpu.dimension_semantics<core_parallel>, #tpu.dimension_semantics<subcore_parallel>], iteration_bounds = array<i64: 2, 16>, scalar_prefetch = 0 : i64, scratch_operands = 12 : i64, tpu.core_type = #tpu.core_type<sc_vector_subcore>, window_params = [{transform_indices = #map}, {transform_indices = #map}, {transform_indices = #map}, {transform_indices = #map}, {transform_indices = #map}]} {
    %mul3A = arith.constant 2 : i32
    %mul3A_0 = arith.muli %arg1, %mul3A : i32
    %add3A = arith.addi %mul3A_0, %arg0 : i32
    %sub3A = arith.constant 2500 : i32
    %sub3A_1 = arith.subi %sub3A, %add3A : i32
    %add3A_2 = arith.constant 32 : i32
    %add3A_3 = arith.addi %sub3A_1, %add3A_2 : i32
    %sub3A_4 = arith.constant 1 : i32
    %sub3A_5 = arith.subi %add3A_3, %sub3A_4 : i32
    %jit3A = arith.constant 32 : i32
    %div3A = arith.divsi %sub3A_5, %jit3A : i32
    %sign3A = arith.constant 0 : i32
    %sign3A_6 = arith.cmpi sgt, %sub3A_5, %sign3A : i32
    %sign3A_7 = arith.extui %sign3A_6 : i1 to i32
    %sign3A_8 = arith.constant 0 : i32
    %sign3A_9 = arith.cmpi slt, %sub3A_5, %sign3A_8 : i32
    %sign3A_10 = arith.extui %sign3A_9 : i1 to i32
    %sign3A_11 = arith.subi %sign3A_7, %sign3A_10 : i32
    %sign3A_12 = arith.constant 0 : i32
    %sign3A_13 = arith.cmpi sgt, %jit3A, %sign3A_12 : i32
    %sign3A_14 = arith.extui %sign3A_13 : i1 to i32
    %sign3A_15 = arith.constant 0 : i32
    %sign3A_16 = arith.cmpi slt, %jit3A, %sign3A_15 : i32
    %sign3A_17 = arith.extui %sign3A_16 : i1 to i32
    %sign3A_18 = arith.subi %sign3A_14, %sign3A_17 : i32
    %ne3A = arith.cmpi ne, %sign3A_11, %sign3A_18 : i32
    %rem3A = arith.remsi %sub3A_5, %jit3A : i32
    %ne3A_19 = arith.constant 0 : i32
    %ne3A_20 = arith.cmpi ne, %rem3A, %ne3A_19 : i32
    %and3A = arith.andi %ne3A, %ne3A_20 : i1
    %sub3A_21 = arith.constant 1 : i32
    %sub3A_22 = arith.subi %div3A, %sub3A_21 : i32
    %select_n3A = arith.select %and3A, %sub3A_22, %div3A : i32
    %add3A_23 = arith.constant 0 : i32
    %add3A_24 = arith.addi %add3A, %add3A_23 : i32
    %mul3A_25 = arith.constant 640 : i32
    %mul3A_26 = arith.muli %add3A_24, %mul3A_25 : i32
    %dma_start3A = tpu.memref_slice %arg2[%mul3A_26] : memref<1600000xi32, #tpu.memory_space<hbm>> -> memref<640xi32, #tpu.memory_space<hbm>>
    %dma_start3A_27 = tpu.memref_slice %arg2[%mul3A_26] : memref<1600000xi32, #tpu.memory_space<hbm>> -> memref<640xi32, #tpu.memory_space<hbm>>
    tpu.enqueue_dma source(%dma_start3A_27 : memref<640xi32, #tpu.memory_space<hbm>>) target(%arg7 : memref<640xi32, #tpu.memory_space<vmem>>) target_semaphore(%arg15 : memref<!tpu.dma_semaphore, #tpu.memory_space<semaphore_mem>>)
    %add3A_28 = arith.constant 32 : i32
    %add3A_29 = arith.addi %add3A, %add3A_28 : i32
    %mul3A_30 = arith.constant 640 : i32
    %mul3A_31 = arith.muli %add3A_29, %mul3A_30 : i32
    %dma_start3A_32 = tpu.memref_slice %arg2[%mul3A_31] : memref<1600000xi32, #tpu.memory_space<hbm>> -> memref<640xi32, #tpu.memory_space<hbm>>
    %dma_start3A_33 = tpu.memref_slice %arg2[%mul3A_31] : memref<1600000xi32, #tpu.memory_space<hbm>> -> memref<640xi32, #tpu.memory_space<hbm>>
    tpu.enqueue_dma source(%dma_start3A_33 : memref<640xi32, #tpu.memory_space<hbm>>) target(%arg8 : memref<640xi32, #tpu.memory_space<vmem>>) target_semaphore(%arg16 : memref<!tpu.dma_semaphore, #tpu.memory_space<semaphore_mem>>)
    "tpu.region"() ({
      %run_scoped3A = tpu.sem_alloc : memref<!tpu.dma_semaphore, #tpu.memory_space<semaphore_mem>>
      tpu.enqueue_dma source(%arg3 : memref<704xf32, #tpu.memory_space<hbm>>) target(%arg12 : memref<704xf32, #tpu.memory_space<vmem>>) target_semaphore(%run_scoped3A : memref<!tpu.dma_semaphore, #tpu.memory_space<semaphore_mem>>)
      tpu.wait_dma2 semaphore(%run_scoped3A : memref<!tpu.dma_semaphore, #tpu.memory_space<semaphore_mem>>) src(%arg3 : memref<704xf32, #tpu.memory_space<hbm>>) dst(%arg12 : memref<704xf32, #tpu.memory_space<vmem>>)
      tpu.yield
    }) : () -> ()
    "tpu.region"() ({
      %run_scoped3A = tpu.sem_alloc : memref<!tpu.dma_semaphore, #tpu.memory_space<semaphore_mem>>
      tpu.enqueue_dma source(%arg4 : memref<192xf32, #tpu.memory_space<hbm>>) target(%arg13 : memref<192xf32, #tpu.memory_space<vmem>>) target_semaphore(%run_scoped3A : memref<!tpu.dma_semaphore, #tpu.memory_space<semaphore_mem>>)
      tpu.wait_dma2 semaphore(%run_scoped3A : memref<!tpu.dma_semaphore, #tpu.memory_space<semaphore_mem>>) src(%arg4 : memref<192xf32, #tpu.memory_space<hbm>>) dst(%arg13 : memref<192xf32, #tpu.memory_space<vmem>>)
      tpu.yield
    }) : () -> ()
    "tpu.region"() ({
      %run_scoped3A = tpu.sem_alloc : memref<!tpu.dma_semaphore, #tpu.memory_space<semaphore_mem>>
      tpu.enqueue_dma source(%arg5 : memref<64xf32, #tpu.memory_space<hbm>>) target(%arg14 : memref<64xf32, #tpu.memory_space<vmem>>) target_semaphore(%run_scoped3A : memref<!tpu.dma_semaphore, #tpu.memory_space<semaphore_mem>>)
      tpu.wait_dma2 semaphore(%run_scoped3A : memref<!tpu.dma_semaphore, #tpu.memory_space<semaphore_mem>>) src(%arg5 : memref<64xf32, #tpu.memory_space<hbm>>) dst(%arg14 : memref<64xf32, #tpu.memory_space<vmem>>)
      tpu.yield
    }) : () -> ()
    %scan3A = arith.constant 0 : i32
    %scan3A_34 = arith.constant 0 : i32
    %scan3A_35 = arith.constant 264 : i32
    %scan3A_36 = arith.addi %scan3A_34, %scan3A_35 : i32
    %scan3A_37 = arith.constant 1 : i32
    scf.for %scan3A_108 = %scan3A_34 to %scan3A_36 step %scan3A_37  : i32 {
      %jit3A_109 = arith.constant 12 : i32
      %div3A_110 = arith.divsi %scan3A_108, %jit3A_109 : i32
      %sign3A_111 = arith.constant 0 : i32
      %sign3A_112 = arith.cmpi sgt, %scan3A_108, %sign3A_111 : i32
      %sign3A_113 = arith.extui %sign3A_112 : i1 to i32
      %sign3A_114 = arith.constant 0 : i32
      %sign3A_115 = arith.cmpi slt, %scan3A_108, %sign3A_114 : i32
      %sign3A_116 = arith.extui %sign3A_115 : i1 to i32
      %sign3A_117 = arith.subi %sign3A_113, %sign3A_116 : i32
      %sign3A_118 = arith.constant 0 : i32
      %sign3A_119 = arith.cmpi sgt, %jit3A_109, %sign3A_118 : i32
      %sign3A_120 = arith.extui %sign3A_119 : i1 to i32
      %sign3A_121 = arith.constant 0 : i32
      %sign3A_122 = arith.cmpi slt, %jit3A_109, %sign3A_121 : i32
      %sign3A_123 = arith.extui %sign3A_122 : i1 to i32
      %sign3A_124 = arith.subi %sign3A_120, %sign3A_123 : i32
      %ne3A_125 = arith.cmpi ne, %sign3A_117, %sign3A_124 : i32
      %rem3A_126 = arith.remsi %scan3A_108, %jit3A_109 : i32
      %ne3A_127 = arith.constant 0 : i32
      %ne3A_128 = arith.cmpi ne, %rem3A_126, %ne3A_127 : i32
      %and3A_129 = arith.andi %ne3A_125, %ne3A_128 : i1
      %sub3A_130 = arith.constant 1 : i32
      %sub3A_131 = arith.subi %div3A_110, %sub3A_130 : i32
      %select_n3A_132 = arith.select %and3A_129, %sub3A_131, %div3A_110 : i32
      %mul3A_133 = arith.constant 12 : i32
      %mul3A_134 = arith.muli %select_n3A_132, %mul3A_133 : i32
      %sub3A_135 = arith.subi %scan3A_108, %mul3A_134 : i32
      %jit3A_136 = arith.constant 2 : i32
      %div3A_137 = arith.divsi %sub3A_135, %jit3A_136 : i32
      %sign3A_138 = arith.constant 0 : i32
      %sign3A_139 = arith.cmpi sgt, %sub3A_135, %sign3A_138 : i32
      %sign3A_140 = arith.extui %sign3A_139 : i1 to i32
      %sign3A_141 = arith.constant 0 : i32
      %sign3A_142 = arith.cmpi slt, %sub3A_135, %sign3A_141 : i32
      %sign3A_143 = arith.extui %sign3A_142 : i1 to i32
      %sign3A_144 = arith.subi %sign3A_140, %sign3A_143 : i32
      %sign3A_145 = arith.constant 0 : i32
      %sign3A_146 = arith.cmpi sgt, %jit3A_136, %sign3A_145 : i32
      %sign3A_147 = arith.extui %sign3A_146 : i1 to i32
      %sign3A_148 = arith.constant 0 : i32
      %sign3A_149 = arith.cmpi slt, %jit3A_136, %sign3A_148 : i32
      %sign3A_150 = arith.extui %sign3A_149 : i1 to i32
      %sign3A_151 = arith.subi %sign3A_147, %sign3A_150 : i32
      %ne3A_152 = arith.cmpi ne, %sign3A_144, %sign3A_151 : i32
      %rem3A_153 = arith.remsi %sub3A_135, %jit3A_136 : i32
      %ne3A_154 = arith.constant 0 : i32
      %ne3A_155 = arith.cmpi ne, %rem3A_153, %ne3A_154 : i32
      %and3A_156 = arith.andi %ne3A_152, %ne3A_155 : i1
      %sub3A_157 = arith.constant 1 : i32
      %sub3A_158 = arith.subi %div3A_137, %sub3A_157 : i32
      %select_n3A_159 = arith.select %and3A_156, %sub3A_158, %div3A_137 : i32
      %mul3A_160 = arith.constant 2 : i32
      %mul3A_161 = arith.muli %select_n3A_159, %mul3A_160 : i32
      %sub3A_162 = arith.subi %sub3A_135, %mul3A_161 : i32
      %mul3A_163 = arith.constant 32 : i32
      %mul3A_164 = arith.muli %select_n3A_132, %mul3A_163 : i32
      %add3A_165 = arith.constant 0 : i32
      %add3A_166 = arith.addi %mul3A_164, %add3A_165 : i32
      %get3A = arith.index_cast %add3A_166 : i32 to index
      %get3A_167 = tpu.vector_load %arg12[%get3A] {strides = array<i32>} : memref<704xf32, #tpu.memory_space<vmem>>, vector<16xf32>,
      %mul3A_168 = arith.constant 32 : i32
      %mul3A_169 = arith.muli %select_n3A_159, %mul3A_168 : i32
      %add3A_170 = arith.constant 0 : i32
      %add3A_171 = arith.addi %mul3A_169, %add3A_170 : i32
      %get3A_172 = arith.index_cast %add3A_171 : i32 to index
      %get3A_173 = tpu.vector_load %arg13[%get3A_172] {strides = array<i32>} : memref<192xf32, #tpu.memory_space<vmem>>, vector<16xf32>,
      %add3A_174 = arith.addf %get3A_167, %get3A_173 : vector<16xf32>
      %mul3A_175 = arith.constant 32 : i32
      %mul3A_176 = arith.muli %sub3A_162, %mul3A_175 : i32
      %add3A_177 = arith.constant 0 : i32
      %add3A_178 = arith.addi %mul3A_176, %add3A_177 : i32
      %get3A_179 = arith.index_cast %add3A_178 : i32 to index
      %get3A_180 = tpu.vector_load %arg14[%get3A_179] {strides = array<i32>} : memref<64xf32, #tpu.memory_space<vmem>>, vector<16xf32>,
      %add3A_181 = arith.addf %add3A_174, %get3A_180 : vector<16xf32>
      %mul3A_182 = arith.constant 33 : i32
      %mul3A_183 = arith.muli %scan3A_108, %mul3A_182 : i32
      %add3A_184 = arith.constant 0 : i32
      %add3A_185 = arith.addi %mul3A_183, %add3A_184 : i32
      %swap3A = arith.index_cast %add3A_185 : i32 to index
      %swap3A_186 = tpu.vector_load %arg11[%swap3A] {strides = array<i32>} : memref<8712xf32, #tpu.memory_space<vmem>>, vector<16xf32>,
      tpu.vector_store %arg11[%swap3A], %add3A_181 {strides = array<i32>} : memref<8712xf32, #tpu.memory_space<vmem>>, vector<16xf32>,
      %mul3A_187 = arith.constant 32 : i32
      %mul3A_188 = arith.muli %select_n3A_132, %mul3A_187 : i32
      %add3A_189 = arith.constant 16 : i32
      %add3A_190 = arith.addi %mul3A_188, %add3A_189 : i32
      %get3A_191 = arith.index_cast %add3A_190 : i32 to index
      %get3A_192 = tpu.vector_load %arg12[%get3A_191] {strides = array<i32>} : memref<704xf32, #tpu.memory_space<vmem>>, vector<16xf32>,
      %mul3A_193 = arith.constant 32 : i32
      %mul3A_194 = arith.muli %select_n3A_159, %mul3A_193 : i32
      %add3A_195 = arith.constant 16 : i32
      %add3A_196 = arith.addi %mul3A_194, %add3A_195 : i32
      %get3A_197 = arith.index_cast %add3A_196 : i32 to index
      %get3A_198 = tpu.vector_load %arg13[%get3A_197] {strides = array<i32>} : memref<192xf32, #tpu.memory_space<vmem>>, vector<16xf32>,
      %add3A_199 = arith.addf %get3A_192, %get3A_198 : vector<16xf32>
      %mul3A_200 = arith.constant 32 : i32
      %mul3A_201 = arith.muli %sub3A_162, %mul3A_200 : i32
      %add3A_202 = arith.constant 16 : i32
      %add3A_203 = arith.addi %mul3A_201, %add3A_202 : i32
      %get3A_204 = arith.index_cast %add3A_203 : i32 to index
      %get3A_205 = tpu.vector_load %arg14[%get3A_204] {strides = array<i32>} : memref<64xf32, #tpu.memory_space<vmem>>, vector<16xf32>,
      %add3A_206 = arith.addf %add3A_199, %get3A_205 : vector<16xf32>
      %mul3A_207 = arith.constant 33 : i32
      %mul3A_208 = arith.muli %scan3A_108, %mul3A_207 : i32
      %add3A_209 = arith.constant 16 : i32
      %add3A_210 = arith.addi %mul3A_208, %add3A_209 : i32
      %swap3A_211 = arith.index_cast %add3A_210 : i32 to index
      %swap3A_212 = tpu.vector_load %arg11[%swap3A_211] {strides = array<i32>} : memref<8712xf32, #tpu.memory_space<vmem>>, vector<16xf32>,
      tpu.vector_store %arg11[%swap3A_211], %add3A_206 {strides = array<i32>} : memref<8712xf32, #tpu.memory_space<vmem>>, vector<16xf32>,
    }
    %scan3A_38 = arith.constant 264 : i32
    %scan3A_39 = arith.constant 0 : i32
    %scan3A_40 = arith.constant 0 : i32
    %scan3A_41 = arith.constant 40 : i32
    %scan3A_42 = arith.addi %scan3A_40, %scan3A_41 : i32
    %scan3A_43 = arith.constant 1 : i32
    scf.for %scan3A_108 = %scan3A_40 to %scan3A_42 step %scan3A_43  : i32 {
      %mul3A_109 = arith.constant 2 : i32
      %mul3A_110 = arith.muli %scan3A_108, %mul3A_109 : i32
      %add3A_111 = arith.constant 0 : i32
      %add3A_112 = arith.addi %mul3A_110, %add3A_111 : i32
      %lt3A = arith.cmpi slt, %add3A_112, %select_n3A : i32
      %convert_element_type3A = arith.extui %lt3A : i1 to i32
      %cond3A = arith.constant 0 : i32
      %cond3A_113 = arith.cmpi ne, %convert_element_type3A, %cond3A : i32
      scf.if %cond3A_113 {
        %dma_wait3A_122 = arith.constant 0 : i32
        %dma_wait3A_123 = tpu.memref_slice %arg2[%dma_wait3A_122] : memref<1600000xi32, #tpu.memory_space<hbm>> -> memref<640xi32, #tpu.memory_space<hbm>>
        %dma_wait3A_124 = arith.constant 0 : i32
        %dma_wait3A_125 = tpu.memref_slice %arg2[%dma_wait3A_124] : memref<1600000xi32, #tpu.memory_space<hbm>> -> memref<640xi32, #tpu.memory_space<hbm>>
        tpu.wait_dma2 semaphore(%arg15 : memref<!tpu.dma_semaphore, #tpu.memory_space<semaphore_mem>>) src(%dma_wait3A_125 : memref<640xi32, #tpu.memory_space<hbm>>) dst(%arg7 : memref<640xi32, #tpu.memory_space<vmem>>)
        %ge3A = arith.constant 2 : i32
        %ge3A_126 = arith.cmpi sge, %add3A_112, %ge3A : i32
        %convert_element_type3A_127 = arith.extui %ge3A_126 : i1 to i32
        %cond3A_128 = arith.constant 0 : i32
        %cond3A_129 = arith.cmpi ne, %convert_element_type3A_127, %cond3A_128 : i32
        scf.if %cond3A_129 {
          %dma_wait3A_193 = arith.constant 0 : i32
          %dma_wait3A_194 = tpu.memref_slice %arg9[%dma_wait3A_193] : memref<20480xf32, #tpu.memory_space<vmem>> -> memref<5120xf32, #tpu.memory_space<vmem>>
          %dma_wait3A_195 = arith.constant 0 : i32
          %dma_wait3A_196 = tpu.memref_slice %arg6[%dma_wait3A_195] : memref<51200000xf32, #tpu.memory_space<hbm>> -> memref<5120xf32, #tpu.memory_space<hbm>>
          %dma_wait3A_197 = arith.constant 0 : i32
          %dma_wait3A_198 = tpu.memref_slice %arg6[%dma_wait3A_197] : memref<51200000xf32, #tpu.memory_space<hbm>> -> memref<5120xf32, #tpu.memory_space<hbm>>
          %dma_wait3A_199 = arith.constant 0 : i32
          %dma_wait3A_200 = tpu.memref_slice %arg9[%dma_wait3A_199] : memref<20480xf32, #tpu.memory_space<vmem>> -> memref<5120xf32, #tpu.memory_space<vmem>>
          tpu.wait_dma2 semaphore(%arg17 : memref<!tpu.dma_semaphore, #tpu.memory_space<semaphore_mem>>) src(%dma_wait3A_200 : memref<5120xf32, #tpu.memory_space<vmem>>) dst(%dma_wait3A_198 : memref<5120xf32, #tpu.memory_space<hbm>>)
          %dma_wait3A_201 = arith.constant 5120 : i32
          %dma_wait3A_202 = tpu.memref_slice %arg9[%dma_wait3A_201] : memref<20480xf32, #tpu.memory_space<vmem>> -> memref<5120xf32, #tpu.memory_space<vmem>>
          %dma_wait3A_203 = arith.constant 5120 : i32
          %dma_wait3A_204 = tpu.memref_slice %arg6[%dma_wait3A_203] : memref<51200000xf32, #tpu.memory_space<hbm>> -> memref<5120xf32, #tpu.memory_space<hbm>>
          %dma_wait3A_205 = arith.constant 5120 : i32
          %dma_wait3A_206 = tpu.memref_slice %arg6[%dma_wait3A_205] : memref<51200000xf32, #tpu.memory_space<hbm>> -> memref<5120xf32, #tpu.memory_space<hbm>>
          %dma_wait3A_207 = arith.constant 5120 : i32
          %dma_wait3A_208 = tpu.memref_slice %arg9[%dma_wait3A_207] : memref<20480xf32, #tpu.memory_space<vmem>> -> memref<5120xf32, #tpu.memory_space<vmem>>
          tpu.wait_dma2 semaphore(%arg17 : memref<!tpu.dma_semaphore, #tpu.memory_space<semaphore_mem>>) src(%dma_wait3A_208 : memref<5120xf32, #tpu.memory_space<vmem>>) dst(%dma_wait3A_206 : memref<5120xf32, #tpu.memory_space<hbm>>)
          %dma_wait3A_209 = arith.constant 10240 : i32
          %dma_wait3A_210 = tpu.memref_slice %arg9[%dma_wait3A_209] : memref<20480xf32, #tpu.memory_space<vmem>> -> memref<5120xf32, #tpu.memory_space<vmem>>
          %dma_wait3A_211 = arith.constant 10240 : i32
          %dma_wait3A_212 = tpu.memref_slice %arg6[%dma_wait3A_211] : memref<51200000xf32, #tpu.memory_space<hbm>> -> memref<5120xf32, #tpu.memory_space<hbm>>
          %dma_wait3A_213 = arith.constant 10240 : i32
          %dma_wait3A_214 = tpu.memref_slice %arg6[%dma_wait3A_213] : memref<51200000xf32, #tpu.memory_space<hbm>> -> memref<5120xf32, #tpu.memory_space<hbm>>
          %dma_wait3A_215 = arith.constant 10240 : i32
          %dma_wait3A_216 = tpu.memref_slice %arg9[%dma_wait3A_215] : memref<20480xf32, #tpu.memory_space<vmem>> -> memref<5120xf32, #tpu.memory_space<vmem>>
          tpu.wait_dma2 semaphore(%arg17 : memref<!tpu.dma_semaphore, #tpu.memory_space<semaphore_mem>>) src(%dma_wait3A_216 : memref<5120xf32, #tpu.memory_space<vmem>>) dst(%dma_wait3A_214 : memref<5120xf32, #tpu.memory_space<hbm>>)
          %dma_wait3A_217 = arith.constant 15360 : i32
          %dma_wait3A_218 = tpu.memref_slice %arg9[%dma_wait3A_217] : memref<20480xf32, #tpu.memory_space<vmem>> -> memref<5120xf32, #tpu.memory_space<vmem>>
          %dma_wait3A_219 = arith.constant 15360 : i32
          %dma_wait3A_220 = tpu.memref_slice %arg6[%dma_wait3A_219] : memref<51200000xf32, #tpu.memory_space<hbm>> -> memref<5120xf32, #tpu.memory_space<hbm>>
          %dma_wait3A_221 = arith.constant 15360 : i32
          %dma_wait3A_222 = tpu.memref_slice %arg6[%dma_wait3A_221] : memref<51200000xf32, #tpu.memory_space<hbm>> -> memref<5120xf32, #tpu.memory_space<hbm>>
          %dma_wait3A_223 = arith.constant 15360 : i32
          %dma_wait3A_224 = tpu.memref_slice %arg9[%dma_wait3A_223] : memref<20480xf32, #tpu.memory_space<vmem>> -> memref<5120xf32, #tpu.memory_space<vmem>>
          tpu.wait_dma2 semaphore(%arg17 : memref<!tpu.dma_semaphore, #tpu.memory_space<semaphore_mem>>) src(%dma_wait3A_224 : memref<5120xf32, #tpu.memory_space<vmem>>) dst(%dma_wait3A_222 : memref<5120xf32, #tpu.memory_space<hbm>>)
        } else {
        }
        %scan3A_130 = arith.constant 0 : i32
        %scan3A_131 = arith.constant 0 : i32
        %scan3A_132 = arith.constant 40 : i32
        %scan3A_133 = arith.addi %scan3A_131, %scan3A_132 : i32
        %scan3A_134 = arith.constant 1 : i32
        scf.for %scan3A_193 = %scan3A_131 to %scan3A_133 step %scan3A_134  : i32 {
          %mul3A_194 = arith.constant 16 : i32
          %mul3A_195 = arith.muli %scan3A_193, %mul3A_194 : i32
          %get3A = arith.index_cast %mul3A_195 : i32 to index
          %get3A_196 = tpu.vector_load %arg7[%get3A] {strides = array<i32>} : memref<640xi32, #tpu.memory_space<vmem>>, vector<16xi32>,
          %and3A_197 = arith.constant 255 : i32
          %and3A_198 = vector.broadcast %and3A_197 : i32 to vector<16xi32>
          %and3A_199 = arith.andi %get3A_196, %and3A_198 : vector<16xi32>
          %shift_right_arithmetic3A = arith.constant 8 : i32
          %shift_right_arithmetic3A_200 = vector.broadcast %shift_right_arithmetic3A : i32 to vector<16xi32>
          %shift_right_arithmetic3A_201 = arith.shrsi %get3A_196, %shift_right_arithmetic3A_200 : vector<16xi32>
          %and3A_202 = arith.constant 255 : i32
          %and3A_203 = vector.broadcast %and3A_202 : i32 to vector<16xi32>
          %and3A_204 = arith.andi %shift_right_arithmetic3A_201, %and3A_203 : vector<16xi32>
          %shift_right_arithmetic3A_205 = arith.constant 16 : i32
          %shift_right_arithmetic3A_206 = vector.broadcast %shift_right_arithmetic3A_205 : i32 to vector<16xi32>
          %shift_right_arithmetic3A_207 = arith.shrsi %get3A_196, %shift_right_arithmetic3A_206 : vector<16xi32>
          %mul3A_208 = arith.constant 12 : i32
          %mul3A_209 = vector.broadcast %mul3A_208 : i32 to vector<16xi32>
          %mul3A_210 = arith.muli %and3A_199, %mul3A_209 : vector<16xi32>
          %mul3A_211 = arith.constant 2 : i32
          %mul3A_212 = vector.broadcast %mul3A_211 : i32 to vector<16xi32>
          %mul3A_213 = arith.muli %and3A_204, %mul3A_212 : vector<16xi32>
          %add3A_214 = arith.addi %mul3A_210, %mul3A_213 : vector<16xi32>
          %add3A_215 = arith.addi %add3A_214, %shift_right_arithmetic3A_207 : vector<16xi32>
          %mul3A_216 = arith.constant 33 : i32
          %mul3A_217 = vector.broadcast %mul3A_216 : i32 to vector<16xi32>
          %mul3A_218 = arith.muli %add3A_215, %mul3A_217 : vector<16xi32>
          %jit3A_219 = arith.constant 8 : i32
          %div3A_220 = arith.divsi %scan3A_193, %jit3A_219 : i32
          %sign3A_221 = arith.constant 0 : i32
          %sign3A_222 = arith.cmpi sgt, %scan3A_193, %sign3A_221 : i32
          %sign3A_223 = arith.extui %sign3A_222 : i1 to i32
          %sign3A_224 = arith.constant 0 : i32
          %sign3A_225 = arith.cmpi slt, %scan3A_193, %sign3A_224 : i32
          %sign3A_226 = arith.extui %sign3A_225 : i1 to i32
          %sign3A_227 = arith.subi %sign3A_223, %sign3A_226 : i32
          %sign3A_228 = arith.constant 0 : i32
          %sign3A_229 = arith.cmpi sgt, %jit3A_219, %sign3A_228 : i32
          %sign3A_230 = arith.extui %sign3A_229 : i1 to i32
          %sign3A_231 = arith.constant 0 : i32
          %sign3A_232 = arith.cmpi slt, %jit3A_219, %sign3A_231 : i32
          %sign3A_233 = arith.extui %sign3A_232 : i1 to i32
          %sign3A_234 = arith.subi %sign3A_230, %sign3A_233 : i32
          %ne3A_235 = arith.cmpi ne, %sign3A_227, %sign3A_234 : i32
          %rem3A_236 = arith.remsi %scan3A_193, %jit3A_219 : i32
          %ne3A_237 = arith.constant 0 : i32
          %ne3A_238 = arith.cmpi ne, %rem3A_236, %ne3A_237 : i32
          %and3A_239 = arith.andi %ne3A_235, %ne3A_238 : i1
          %sub3A_240 = arith.constant 1 : i32
          %sub3A_241 = arith.subi %div3A_220, %sub3A_240 : i32
          %select_n3A_242 = arith.select %and3A_239, %sub3A_241, %div3A_220 : i32
          %mul3A_243 = arith.constant 1024 : i32
          %mul3A_244 = arith.muli %select_n3A_242, %mul3A_243 : i32
          %jit3A_245 = arith.constant 8 : i32
          %eq3A = arith.constant 0 : i32
          %eq3A_246 = arith.cmpi eq, %jit3A_245, %eq3A : i32
          %jit3A_247 = arith.constant 1 : i32
          %select_n3A_248 = arith.select %eq3A_246, %jit3A_247, %jit3A_245 : i32
          %rem3A_249 = arith.remsi %scan3A_193, %select_n3A_248 : i32
          %ne3A_250 = arith.constant 0 : i32
          %ne3A_251 = arith.cmpi ne, %rem3A_249, %ne3A_250 : i32
          %lt3A_252 = arith.constant 0 : i32
          %lt3A_253 = arith.cmpi slt, %rem3A_249, %lt3A_252 : i32
          %lt3A_254 = arith.constant 0 : i32
          %lt3A_255 = arith.cmpi slt, %select_n3A_248, %lt3A_254 : i32
          %ne3A_256 = arith.xori %lt3A_253, %lt3A_255 : i1
          %and3A_257 = arith.andi %ne3A_256, %ne3A_251 : i1
          %add3A_258 = arith.addi %rem3A_249, %select_n3A_248 : i32
          %select_n3A_259 = arith.select %and3A_257, %add3A_258, %rem3A_249 : i32
          %mul3A_260 = arith.constant 16 : i32
          %mul3A_261 = arith.muli %select_n3A_259, %mul3A_260 : i32
          %add3A_262 = arith.addi %mul3A_244, %mul3A_261 : i32
          %add3A_263 = arith.constant 0 : i32
          %add3A_264 = vector.broadcast %add3A_263 : i32 to vector<16xi32>
          %add3A_265 = arith.addi %mul3A_218, %add3A_264 : vector<16xi32>
          %add3A_266 = arith.constant 0 : i32
          %add3A_267 = vector.broadcast %add3A_266 : i32 to vector<16xi32>
          %add3A_268 = arith.addi %add3A_265, %add3A_267 : vector<16xi32>
          %gather3A = tpu.vector_load_idx %arg11[%add3A_268] : memref<8712xf32, #tpu.memory_space<vmem>>[vector<16xi32>], vector<16xf32>,
          %add3A_269 = arith.constant 0 : i32
          %add3A_270 = vector.broadcast %add3A_269 : i32 to vector<16xi32>
          %add3A_271 = arith.addi %mul3A_218, %add3A_270 : vector<16xi32>
          %add3A_272 = arith.constant 1 : i32
          %add3A_273 = vector.broadcast %add3A_272 : i32 to vector<16xi32>
          %add3A_274 = arith.addi %add3A_271, %add3A_273 : vector<16xi32>
          %gather3A_275 = tpu.vector_load_idx %arg11[%add3A_274] : memref<8712xf32, #tpu.memory_space<vmem>>[vector<16xi32>], vector<16xf32>,
          %add3A_276 = arith.constant 0 : i32
          %add3A_277 = vector.broadcast %add3A_276 : i32 to vector<16xi32>
          %add3A_278 = arith.addi %mul3A_218, %add3A_277 : vector<16xi32>
          %add3A_279 = arith.constant 2 : i32
          %add3A_280 = vector.broadcast %add3A_279 : i32 to vector<16xi32>
          %add3A_281 = arith.addi %add3A_278, %add3A_280 : vector<16xi32>
          %gather3A_282 = tpu.vector_load_idx %arg11[%add3A_281] : memref<8712xf32, #tpu.memory_space<vmem>>[vector<16xi32>], vector<16xf32>,
          %add3A_283 = arith.constant 0 : i32
          %add3A_284 = vector.broadcast %add3A_283 : i32 to vector<16xi32>
          %add3A_285 = arith.addi %mul3A_218, %add3A_284 : vector<16xi32>
          %add3A_286 = arith.constant 3 : i32
          %add3A_287 = vector.broadcast %add3A_286 : i32 to vector<16xi32>
          %add3A_288 = arith.addi %add3A_285, %add3A_287 : vector<16xi32>
          %gather3A_289 = tpu.vector_load_idx %arg11[%add3A_288] : memref<8712xf32, #tpu.memory_space<vmem>>[vector<16xi32>], vector<16xf32>,
          %add3A_290 = arith.constant 0 : i32
          %add3A_291 = vector.broadcast %add3A_290 : i32 to vector<16xi32>
          %add3A_292 = arith.addi %mul3A_218, %add3A_291 : vector<16xi32>
          %add3A_293 = arith.constant 4 : i32
          %add3A_294 = vector.broadcast %add3A_293 : i32 to vector<16xi32>
          %add3A_295 = arith.addi %add3A_292, %add3A_294 : vector<16xi32>
          %gather3A_296 = tpu.vector_load_idx %arg11[%add3A_295] : memref<8712xf32, #tpu.memory_space<vmem>>[vector<16xi32>], vector<16xf32>,
          %add3A_297 = arith.constant 0 : i32
          %add3A_298 = vector.broadcast %add3A_297 : i32 to vector<16xi32>
          %add3A_299 = arith.addi %mul3A_218, %add3A_298 : vector<16xi32>
          %add3A_300 = arith.constant 5 : i32
          %add3A_301 = vector.broadcast %add3A_300 : i32 to vector<16xi32>
          %add3A_302 = arith.addi %add3A_299, %add3A_301 : vector<16xi32>
          %gather3A_303 = tpu.vector_load_idx %arg11[%add3A_302] : memref<8712xf32, #tpu.memory_space<vmem>>[vector<16xi32>], vector<16xf32>,
          %add3A_304 = arith.constant 0 : i32
          %add3A_305 = vector.broadcast %add3A_304 : i32 to vector<16xi32>
          %add3A_306 = arith.addi %mul3A_218, %add3A_305 : vector<16xi32>
          %add3A_307 = arith.constant 6 : i32
          %add3A_308 = vector.broadcast %add3A_307 : i32 to vector<16xi32>
          %add3A_309 = arith.addi %add3A_306, %add3A_308 : vector<16xi32>
          %gather3A_310 = tpu.vector_load_idx %arg11[%add3A_309] : memref<8712xf32, #tpu.memory_space<vmem>>[vector<16xi32>], vector<16xf32>,
          %add3A_311 = arith.constant 0 : i32
          %add3A_312 = vector.broadcast %add3A_311 : i32 to vector<16xi32>
          %add3A_313 = arith.addi %mul3A_218, %add3A_312 : vector<16xi32>
          %add3A_314 = arith.constant 7 : i32
          %add3A_315 = vector.broadcast %add3A_314 : i32 to vector<16xi32>
          %add3A_316 = arith.addi %add3A_313, %add3A_315 : vector<16xi32>
          %gather3A_317 = tpu.vector_load_idx %arg11[%add3A_316] : memref<8712xf32, #tpu.memory_space<vmem>>[vector<16xi32>], vector<16xf32>,
          %add3A_318 = arith.constant 0 : i32
          %add3A_319 = vector.broadcast %add3A_318 : i32 to vector<16xi32>
          %add3A_320 = arith.addi %mul3A_218, %add3A_319 : vector<16xi32>
          %add3A_321 = arith.constant 8 : i32
          %add3A_322 = vector.broadcast %add3A_321 : i32 to vector<16xi32>
          %add3A_323 = arith.addi %add3A_320, %add3A_322 : vector<16xi32>
          %gather3A_324 = tpu.vector_load_idx %arg11[%add3A_323] : memref<8712xf32, #tpu.memory_space<vmem>>[vector<16xi32>], vector<16xf32>,
          %add3A_325 = arith.constant 0 : i32
          %add3A_326 = vector.broadcast %add3A_325 : i32 to vector<16xi32>
          %add3A_327 = arith.addi %mul3A_218, %add3A_326 : vector<16xi32>
          %add3A_328 = arith.constant 9 : i32
          %add3A_329 = vector.broadcast %add3A_328 : i32 to vector<16xi32>
          %add3A_330 = arith.addi %add3A_327, %add3A_329 : vector<16xi32>
          %gather3A_331 = tpu.vector_load_idx %arg11[%add3A_330] : memref<8712xf32, #tpu.memory_space<vmem>>[vector<16xi32>], vector<16xf32>,
          %add3A_332 = arith.constant 0 : i32
          %add3A_333 = vector.broadcast %add3A_332 : i32 to vector<16xi32>
          %add3A_334 = arith.addi %mul3A_218, %add3A_333 : vector<16xi32>
          %add3A_335 = arith.constant 10 : i32
          %add3A_336 = vector.broadcast %add3A_335 : i32 to vector<16xi32>
          %add3A_337 = arith.addi %add3A_334, %add3A_336 : vector<16xi32>
          %gather3A_338 = tpu.vector_load_idx %arg11[%add3A_337] : memref<8712xf32, #tpu.memory_space<vmem>>[vector<16xi32>], vector<16xf32>,
          %add3A_339 = arith.constant 0 : i32
          %add3A_340 = vector.broadcast %add3A_339 : i32 to vector<16xi32>
          %add3A_341 = arith.addi %mul3A_218, %add3A_340 : vector<16xi32>
          %add3A_342 = arith.constant 11 : i32
          %add3A_343 = vector.broadcast %add3A_342 : i32 to vector<16xi32>
          %add3A_344 = arith.addi %add3A_341, %add3A_343 : vector<16xi32>
          %gather3A_345 = tpu.vector_load_idx %arg11[%add3A_344] : memref<8712xf32, #tpu.memory_space<vmem>>[vector<16xi32>], vector<16xf32>,
          %add3A_346 = arith.constant 0 : i32
          %add3A_347 = vector.broadcast %add3A_346 : i32 to vector<16xi32>
          %add3A_348 = arith.addi %mul3A_218, %add3A_347 : vector<16xi32>
          %add3A_349 = arith.constant 12 : i32
          %add3A_350 = vector.broadcast %add3A_349 : i32 to vector<16xi32>
          %add3A_351 = arith.addi %add3A_348, %add3A_350 : vector<16xi32>
          %gather3A_352 = tpu.vector_load_idx %arg11[%add3A_351] : memref<8712xf32, #tpu.memory_space<vmem>>[vector<16xi32>], vector<16xf32>,
          %add3A_353 = arith.constant 0 : i32
          %add3A_354 = vector.broadcast %add3A_353 : i32 to vector<16xi32>
          %add3A_355 = arith.addi %mul3A_218, %add3A_354 : vector<16xi32>
          %add3A_356 = arith.constant 13 : i32
          %add3A_357 = vector.broadcast %add3A_356 : i32 to vector<16xi32>
          %add3A_358 = arith.addi %add3A_355, %add3A_357 : vector<16xi32>
          %gather3A_359 = tpu.vector_load_idx %arg11[%add3A_358] : memref<8712xf32, #tpu.memory_space<vmem>>[vector<16xi32>], vector<16xf32>,
          %add3A_360 = arith.constant 0 : i32
          %add3A_361 = vector.broadcast %add3A_360 : i32 to vector<16xi32>
          %add3A_362 = arith.addi %mul3A_218, %add3A_361 : vector<16xi32>
          %add3A_363 = arith.constant 14 : i32
          %add3A_364 = vector.broadcast %add3A_363 : i32 to vector<16xi32>
          %add3A_365 = arith.addi %add3A_362, %add3A_364 : vector<16xi32>
          %gather3A_366 = tpu.vector_load_idx %arg11[%add3A_365] : memref<8712xf32, #tpu.memory_space<vmem>>[vector<16xi32>], vector<16xf32>,
          %add3A_367 = arith.constant 0 : i32
          %add3A_368 = vector.broadcast %add3A_367 : i32 to vector<16xi32>
          %add3A_369 = arith.addi %mul3A_218, %add3A_368 : vector<16xi32>
          %add3A_370 = arith.constant 15 : i32
          %add3A_371 = vector.broadcast %add3A_370 : i32 to vector<16xi32>
          %add3A_372 = arith.addi %add3A_369, %add3A_371 : vector<16xi32>
          %gather3A_373 = tpu.vector_load_idx %arg11[%add3A_372] : memref<8712xf32, #tpu.memory_space<vmem>>[vector<16xi32>], vector<16xf32>,
          %add3A_374 = arith.constant 0 : i32
          %add3A_375 = arith.addi %add3A_262, %add3A_374 : i32
          %add3A_376 = arith.constant 0 : i32
          %add3A_377 = arith.addi %add3A_375, %add3A_376 : i32
          %swap3A = arith.index_cast %add3A_377 : i32 to index
          %swap3A_378 = tpu.vector_load %arg9[%swap3A] {strides = array<i32>} : memref<20480xf32, #tpu.memory_space<vmem>>, vector<16xf32>,
          tpu.vector_store %arg9[%swap3A], %gather3A {strides = array<i32>} : memref<20480xf32, #tpu.memory_space<vmem>>, vector<16xf32>,
          %add3A_379 = arith.constant 0 : i32
          %add3A_380 = arith.addi %add3A_262, %add3A_379 : i32
          %add3A_381 = arith.constant 128 : i32
          %add3A_382 = arith.addi %add3A_380, %add3A_381 : i32
          %swap3A_383 = arith.index_cast %add3A_382 : i32 to index
          %swap3A_384 = tpu.vector_load %arg9[%swap3A_383] {strides = array<i32>} : memref<20480xf32, #tpu.memory_space<vmem>>, vector<16xf32>,
          tpu.vector_store %arg9[%swap3A_383], %gather3A_275 {strides = array<i32>} : memref<20480xf32, #tpu.memory_space<vmem>>, vector<16xf32>,
          %add3A_385 = arith.constant 0 : i32
          %add3A_386 = arith.addi %add3A_262, %add3A_385 : i32
          %add3A_387 = arith.constant 256 : i32
          %add3A_388 = arith.addi %add3A_386, %add3A_387 : i32
          %swap3A_389 = arith.index_cast %add3A_388 : i32 to index
          %swap3A_390 = tpu.vector_load %arg9[%swap3A_389] {strides = array<i32>} : memref<20480xf32, #tpu.memory_space<vmem>>, vector<16xf32>,
          tpu.vector_store %arg9[%swap3A_389], %gather3A_282 {strides = array<i32>} : memref<20480xf32, #tpu.memory_space<vmem>>, vector<16xf32>,
          %add3A_391 = arith.constant 0 : i32
          %add3A_392 = arith.addi %add3A_262, %add3A_391 : i32
          %add3A_393 = arith.constant 384 : i32
          %add3A_394 = arith.addi %add3A_392, %add3A_393 : i32
          %swap3A_395 = arith.index_cast %add3A_394 : i32 to index
          %swap3A_396 = tpu.vector_load %arg9[%swap3A_395] {strides = array<i32>} : memref<20480xf32, #tpu.memory_space<vmem>>, vector<16xf32>,
          tpu.vector_store %arg9[%swap3A_395], %gather3A_289 {strides = array<i32>} : memref<20480xf32, #tpu.memory_space<vmem>>, vector<16xf32>,
          %add3A_397 = arith.constant 0 : i32
          %add3A_398 = arith.addi %add3A_262, %add3A_397 : i32
          %add3A_399 = arith.constant 512 : i32
          %add3A_400 = arith.addi %add3A_398, %add3A_399 : i32
          %swap3A_401 = arith.index_cast %add3A_400 : i32 to index
          %swap3A_402 = tpu.vector_load %arg9[%swap3A_401] {strides = array<i32>} : memref<20480xf32, #tpu.memory_space<vmem>>, vector<16xf32>,
          tpu.vector_store %arg9[%swap3A_401], %gather3A_296 {strides = array<i32>} : memref<20480xf32, #tpu.memory_space<vmem>>, vector<16xf32>,
          %add3A_403 = arith.constant 0 : i32
          %add3A_404 = arith.addi %add3A_262, %add3A_403 : i32
          %add3A_405 = arith.constant 640 : i32
          %add3A_406 = arith.addi %add3A_404, %add3A_405 : i32
          %swap3A_407 = arith.index_cast %add3A_406 : i32 to index
          %swap3A_408 = tpu.vector_load %arg9[%swap3A_407] {strides = array<i32>} : memref<20480xf32, #tpu.memory_space<vmem>>, vector<16xf32>,
          tpu.vector_store %arg9[%swap3A_407], %gather3A_303 {strides = array<i32>} : memref<20480xf32, #tpu.memory_space<vmem>>, vector<16xf32>,
          %add3A_409 = arith.constant 0 : i32
          %add3A_410 = arith.addi %add3A_262, %add3A_409 : i32
          %add3A_411 = arith.constant 768 : i32
          %add3A_412 = arith.addi %add3A_410, %add3A_411 : i32
          %swap3A_413 = arith.index_cast %add3A_412 : i32 to index
          %swap3A_414 = tpu.vector_load %arg9[%swap3A_413] {strides = array<i32>} : memref<20480xf32, #tpu.memory_space<vmem>>, vector<16xf32>,
          tpu.vector_store %arg9[%swap3A_413], %gather3A_310 {strides = array<i32>} : memref<20480xf32, #tpu.memory_space<vmem>>, vector<16xf32>,
          %add3A_415 = arith.constant 0 : i32
          %add3A_416 = arith.addi %add3A_262, %add3A_415 : i32
          %add3A_417 = arith.constant 896 : i32
          %add3A_418 = arith.addi %add3A_416, %add3A_417 : i32
          %swap3A_419 = arith.index_cast %add3A_418 : i32 to index
          %swap3A_420 = tpu.vector_load %arg9[%swap3A_419] {strides = array<i32>} : memref<20480xf32, #tpu.memory_space<vmem>>, vector<16xf32>,
          tpu.vector_store %arg9[%swap3A_419], %gather3A_317 {strides = array<i32>} : memref<20480xf32, #tpu.memory_space<vmem>>, vector<16xf32>,
          %add3A_421 = arith.constant 5120 : i32
          %add3A_422 = arith.addi %add3A_262, %add3A_421 : i32
          %add3A_423 = arith.constant 0 : i32
          %add3A_424 = arith.addi %add3A_422, %add3A_423 : i32
          %swap3A_425 = arith.index_cast %add3A_424 : i32 to index
          %swap3A_426 = tpu.vector_load %arg9[%swap3A_425] {strides = array<i32>} : memref<20480xf32, #tpu.memory_space<vmem>>, vector<16xf32>,
          tpu.vector_store %arg9[%swap3A_425], %gather3A_324 {strides = array<i32>} : memref<20480xf32, #tpu.memory_space<vmem>>, vector<16xf32>,
          %add3A_427 = arith.constant 5120 : i32
          %add3A_428 = arith.addi %add3A_262, %add3A_427 : i32
          %add3A_429 = arith.constant 128 : i32
          %add3A_430 = arith.addi %add3A_428, %add3A_429 : i32
          %swap3A_431 = arith.index_cast %add3A_430 : i32 to index
          %swap3A_432 = tpu.vector_load %arg9[%swap3A_431] {strides = array<i32>} : memref<20480xf32, #tpu.memory_space<vmem>>, vector<16xf32>,
          tpu.vector_store %arg9[%swap3A_431], %gather3A_331 {strides = array<i32>} : memref<20480xf32, #tpu.memory_space<vmem>>, vector<16xf32>,
          %add3A_433 = arith.constant 5120 : i32
          %add3A_434 = arith.addi %add3A_262, %add3A_433 : i32
          %add3A_435 = arith.constant 256 : i32
          %add3A_436 = arith.addi %add3A_434, %add3A_435 : i32
          %swap3A_437 = arith.index_cast %add3A_436 : i32 to index
          %swap3A_438 = tpu.vector_load %arg9[%swap3A_437] {strides = array<i32>} : memref<20480xf32, #tpu.memory_space<vmem>>, vector<16xf32>,
          tpu.vector_store %arg9[%swap3A_437], %gather3A_338 {strides = array<i32>} : memref<20480xf32, #tpu.memory_space<vmem>>, vector<16xf32>,
          %add3A_439 = arith.constant 5120 : i32
          %add3A_440 = arith.addi %add3A_262, %add3A_439 : i32
          %add3A_441 = arith.constant 384 : i32
          %add3A_442 = arith.addi %add3A_440, %add3A_441 : i32
          %swap3A_443 = arith.index_cast %add3A_442 : i32 to index
          %swap3A_444 = tpu.vector_load %arg9[%swap3A_443] {strides = array<i32>} : memref<20480xf32, #tpu.memory_space<vmem>>, vector<16xf32>,
          tpu.vector_store %arg9[%swap3A_443], %gather3A_345 {strides = array<i32>} : memref<20480xf32, #tpu.memory_space<vmem>>, vector<16xf32>,
          %add3A_445 = arith.constant 5120 : i32
          %add3A_446 = arith.addi %add3A_262, %add3A_445 : i32
          %add3A_447 = arith.constant 512 : i32
          %add3A_448 = arith.addi %add3A_446, %add3A_447 : i32
          %swap3A_449 = arith.index_cast %add3A_448 : i32 to index
          %swap3A_450 = tpu.vector_load %arg9[%swap3A_449] {strides = array<i32>} : memref<20480xf32, #tpu.memory_space<vmem>>, vector<16xf32>,
          tpu.vector_store %arg9[%swap3A_449], %gather3A_352 {strides = array<i32>} : memref<20480xf32, #tpu.memory_space<vmem>>, vector<16xf32>,
          %add3A_451 = arith.constant 5120 : i32
          %add3A_452 = arith.addi %add3A_262, %add3A_451 : i32
          %add3A_453 = arith.constant 640 : i32
          %add3A_454 = arith.addi %add3A_452, %add3A_453 : i32
          %swap3A_455 = arith.index_cast %add3A_454 : i32 to index
          %swap3A_456 = tpu.vector_load %arg9[%swap3A_455] {strides = array<i32>} : memref<20480xf32, #tpu.memory_space<vmem>>, vector<16xf32>,
          tpu.vector_store %arg9[%swap3A_455], %gather3A_359 {strides = array<i32>} : memref<20480xf32, #tpu.memory_space<vmem>>, vector<16xf32>,
          %add3A_457 = arith.constant 5120 : i32
          %add3A_458 = arith.addi %add3A_262, %add3A_457 : i32
          %add3A_459 = arith.constant 768 : i32
          %add3A_460 = arith.addi %add3A_458, %add3A_459 : i32
          %swap3A_461 = arith.index_cast %add3A_460 : i32 to index
          %swap3A_462 = tpu.vector_load %arg9[%swap3A_461] {strides = array<i32>} : memref<20480xf32, #tpu.memory_space<vmem>>, vector<16xf32>,
          tpu.vector_store %arg9[%swap3A_461], %gather3A_366 {strides = array<i32>} : memref<20480xf32, #tpu.memory_space<vmem>>, vector<16xf32>,
          %add3A_463 = arith.constant 5120 : i32
          %add3A_464 = arith.addi %add3A_262, %add3A_463 : i32
          %add3A_465 = arith.constant 896 : i32
          %add3A_466 = arith.addi %add3A_464, %add3A_465 : i32
          %swap3A_467 = arith.index_cast %add3A_466 : i32 to index
          %swap3A_468 = tpu.vector_load %arg9[%swap3A_467] {strides = array<i32>} : memref<20480xf32, #tpu.memory_space<vmem>>, vector<16xf32>,
          tpu.vector_store %arg9[%swap3A_467], %gather3A_373 {strides = array<i32>} : memref<20480xf32, #tpu.memory_space<vmem>>, vector<16xf32>,
          %add3A_469 = arith.constant 16 : i32
          %add3A_470 = vector.broadcast %add3A_469 : i32 to vector<16xi32>
          %add3A_471 = arith.addi %mul3A_218, %add3A_470 : vector<16xi32>
          %add3A_472 = arith.constant 0 : i32
          %add3A_473 = vector.broadcast %add3A_472 : i32 to vector<16xi32>
          %add3A_474 = arith.addi %add3A_471, %add3A_473 : vector<16xi32>
          %gather3A_475 = tpu.vector_load_idx %arg11[%add3A_474] : memref<8712xf32, #tpu.memory_space<vmem>>[vector<16xi32>], vector<16xf32>,
          %add3A_476 = arith.constant 16 : i32
          %add3A_477 = vector.broadcast %add3A_476 : i32 to vector<16xi32>
          %add3A_478 = arith.addi %mul3A_218, %add3A_477 : vector<16xi32>
          %add3A_479 = arith.constant 1 : i32
          %add3A_480 = vector.broadcast %add3A_479 : i32 to vector<16xi32>
          %add3A_481 = arith.addi %add3A_478, %add3A_480 : vector<16xi32>
          %gather3A_482 = tpu.vector_load_idx %arg11[%add3A_481] : memref<8712xf32, #tpu.memory_space<vmem>>[vector<16xi32>], vector<16xf32>,
          %add3A_483 = arith.constant 16 : i32
          %add3A_484 = vector.broadcast %add3A_483 : i32 to vector<16xi32>
          %add3A_485 = arith.addi %mul3A_218, %add3A_484 : vector<16xi32>
          %add3A_486 = arith.constant 2 : i32
          %add3A_487 = vector.broadcast %add3A_486 : i32 to vector<16xi32>
          %add3A_488 = arith.addi %add3A_485, %add3A_487 : vector<16xi32>
          %gather3A_489 = tpu.vector_load_idx %arg11[%add3A_488] : memref<8712xf32, #tpu.memory_space<vmem>>[vector<16xi32>], vector<16xf32>,
          %add3A_490 = arith.constant 16 : i32
          %add3A_491 = vector.broadcast %add3A_490 : i32 to vector<16xi32>
          %add3A_492 = arith.addi %mul3A_218, %add3A_491 : vector<16xi32>
          %add3A_493 = arith.constant 3 : i32
          %add3A_494 = vector.broadcast %add3A_493 : i32 to vector<16xi32>
          %add3A_495 = arith.addi %add3A_492, %add3A_494 : vector<16xi32>
          %gather3A_496 = tpu.vector_load_idx %arg11[%add3A_495] : memref<8712xf32, #tpu.memory_space<vmem>>[vector<16xi32>], vector<16xf32>,
          %add3A_497 = arith.constant 16 : i32
          %add3A_498 = vector.broadcast %add3A_497 : i32 to vector<16xi32>
          %add3A_499 = arith.addi %mul3A_218, %add3A_498 : vector<16xi32>
          %add3A_500 = arith.constant 4 : i32
          %add3A_501 = vector.broadcast %add3A_500 : i32 to vector<16xi32>
          %add3A_502 = arith.addi %add3A_499, %add3A_501 : vector<16xi32>
          %gather3A_503 = tpu.vector_load_idx %arg11[%add3A_502] : memref<8712xf32, #tpu.memory_space<vmem>>[vector<16xi32>], vector<16xf32>,
          %add3A_504 = arith.constant 16 : i32
          %add3A_505 = vector.broadcast %add3A_504 : i32 to vector<16xi32>
          %add3A_506 = arith.addi %mul3A_218, %add3A_505 : vector<16xi32>
          %add3A_507 = arith.constant 5 : i32
          %add3A_508 = vector.broadcast %add3A_507 : i32 to vector<16xi32>
          %add3A_509 = arith.addi %add3A_506, %add3A_508 : vector<16xi32>
          %gather3A_510 = tpu.vector_load_idx %arg11[%add3A_509] : memref<8712xf32, #tpu.memory_space<vmem>>[vector<16xi32>], vector<16xf32>,
          %add3A_511 = arith.constant 16 : i32
          %add3A_512 = vector.broadcast %add3A_511 : i32 to vector<16xi32>
          %add3A_513 = arith.addi %mul3A_218, %add3A_512 : vector<16xi32>
          %add3A_514 = arith.constant 6 : i32
          %add3A_515 = vector.broadcast %add3A_514 : i32 to vector<16xi32>
          %add3A_516 = arith.addi %add3A_513, %add3A_515 : vector<16xi32>
          %gather3A_517 = tpu.vector_load_idx %arg11[%add3A_516] : memref<8712xf32, #tpu.memory_space<vmem>>[vector<16xi32>], vector<16xf32>,
          %add3A_518 = arith.constant 16 : i32
          %add3A_519 = vector.broadcast %add3A_518 : i32 to vector<16xi32>
          %add3A_520 = arith.addi %mul3A_218, %add3A_519 : vector<16xi32>
          %add3A_521 = arith.constant 7 : i32
          %add3A_522 = vector.broadcast %add3A_521 : i32 to vector<16xi32>
          %add3A_523 = arith.addi %add3A_520, %add3A_522 : vector<16xi32>
          %gather3A_524 = tpu.vector_load_idx %arg11[%add3A_523] : memref<8712xf32, #tpu.memory_space<vmem>>[vector<16xi32>], vector<16xf32>,
          %add3A_525 = arith.constant 16 : i32
          %add3A_526 = vector.broadcast %add3A_525 : i32 to vector<16xi32>
          %add3A_527 = arith.addi %mul3A_218, %add3A_526 : vector<16xi32>
          %add3A_528 = arith.constant 8 : i32
          %add3A_529 = vector.broadcast %add3A_528 : i32 to vector<16xi32>
          %add3A_530 = arith.addi %add3A_527, %add3A_529 : vector<16xi32>
          %gather3A_531 = tpu.vector_load_idx %arg11[%add3A_530] : memref<8712xf32, #tpu.memory_space<vmem>>[vector<16xi32>], vector<16xf32>,
          %add3A_532 = arith.constant 16 : i32
          %add3A_533 = vector.broadcast %add3A_532 : i32 to vector<16xi32>
          %add3A_534 = arith.addi %mul3A_218, %add3A_533 : vector<16xi32>
          %add3A_535 = arith.constant 9 : i32
          %add3A_536 = vector.broadcast %add3A_535 : i32 to vector<16xi32>
          %add3A_537 = arith.addi %add3A_534, %add3A_536 : vector<16xi32>
          %gather3A_538 = tpu.vector_load_idx %arg11[%add3A_537] : memref<8712xf32, #tpu.memory_space<vmem>>[vector<16xi32>], vector<16xf32>,
          %add3A_539 = arith.constant 16 : i32
          %add3A_540 = vector.broadcast %add3A_539 : i32 to vector<16xi32>
          %add3A_541 = arith.addi %mul3A_218, %add3A_540 : vector<16xi32>
          %add3A_542 = arith.constant 10 : i32
          %add3A_543 = vector.broadcast %add3A_542 : i32 to vector<16xi32>
          %add3A_544 = arith.addi %add3A_541, %add3A_543 : vector<16xi32>
          %gather3A_545 = tpu.vector_load_idx %arg11[%add3A_544] : memref<8712xf32, #tpu.memory_space<vmem>>[vector<16xi32>], vector<16xf32>,
          %add3A_546 = arith.constant 16 : i32
          %add3A_547 = vector.broadcast %add3A_546 : i32 to vector<16xi32>
          %add3A_548 = arith.addi %mul3A_218, %add3A_547 : vector<16xi32>
          %add3A_549 = arith.constant 11 : i32
          %add3A_550 = vector.broadcast %add3A_549 : i32 to vector<16xi32>
          %add3A_551 = arith.addi %add3A_548, %add3A_550 : vector<16xi32>
          %gather3A_552 = tpu.vector_load_idx %arg11[%add3A_551] : memref<8712xf32, #tpu.memory_space<vmem>>[vector<16xi32>], vector<16xf32>,
          %add3A_553 = arith.constant 16 : i32
          %add3A_554 = vector.broadcast %add3A_553 : i32 to vector<16xi32>
          %add3A_555 = arith.addi %mul3A_218, %add3A_554 : vector<16xi32>
          %add3A_556 = arith.constant 12 : i32
          %add3A_557 = vector.broadcast %add3A_556 : i32 to vector<16xi32>
          %add3A_558 = arith.addi %add3A_555, %add3A_557 : vector<16xi32>
          %gather3A_559 = tpu.vector_load_idx %arg11[%add3A_558] : memref<8712xf32, #tpu.memory_space<vmem>>[vector<16xi32>], vector<16xf32>,
          %add3A_560 = arith.constant 16 : i32
          %add3A_561 = vector.broadcast %add3A_560 : i32 to vector<16xi32>
          %add3A_562 = arith.addi %mul3A_218, %add3A_561 : vector<16xi32>
          %add3A_563 = arith.constant 13 : i32
          %add3A_564 = vector.broadcast %add3A_563 : i32 to vector<16xi32>
          %add3A_565 = arith.addi %add3A_562, %add3A_564 : vector<16xi32>
          %gather3A_566 = tpu.vector_load_idx %arg11[%add3A_565] : memref<8712xf32, #tpu.memory_space<vmem>>[vector<16xi32>], vector<16xf32>,
          %add3A_567 = arith.constant 16 : i32
          %add3A_568 = vector.broadcast %add3A_567 : i32 to vector<16xi32>
          %add3A_569 = arith.addi %mul3A_218, %add3A_568 : vector<16xi32>
          %add3A_570 = arith.constant 14 : i32
          %add3A_571 = vector.broadcast %add3A_570 : i32 to vector<16xi32>
          %add3A_572 = arith.addi %add3A_569, %add3A_571 : vector<16xi32>
          %gather3A_573 = tpu.vector_load_idx %arg11[%add3A_572] : memref<8712xf32, #tpu.memory_space<vmem>>[vector<16xi32>], vector<16xf32>,
          %add3A_574 = arith.constant 16 : i32
          %add3A_575 = vector.broadcast %add3A_574 : i32 to vector<16xi32>
          %add3A_576 = arith.addi %mul3A_218, %add3A_575 : vector<16xi32>
          %add3A_577 = arith.constant 15 : i32
          %add3A_578 = vector.broadcast %add3A_577 : i32 to vector<16xi32>
          %add3A_579 = arith.addi %add3A_576, %add3A_578 : vector<16xi32>
          %gather3A_580 = tpu.vector_load_idx %arg11[%add3A_579] : memref<8712xf32, #tpu.memory_space<vmem>>[vector<16xi32>], vector<16xf32>,
          %add3A_581 = arith.constant 10240 : i32
          %add3A_582 = arith.addi %add3A_262, %add3A_581 : i32
          %add3A_583 = arith.constant 0 : i32
          %add3A_584 = arith.addi %add3A_582, %add3A_583 : i32
          %swap3A_585 = arith.index_cast %add3A_584 : i32 to index
          %swap3A_586 = tpu.vector_load %arg9[%swap3A_585] {strides = array<i32>} : memref<20480xf32, #tpu.memory_space<vmem>>, vector<16xf32>,
          tpu.vector_store %arg9[%swap3A_585], %gather3A_475 {strides = array<i32>} : memref<20480xf32, #tpu.memory_space<vmem>>, vector<16xf32>,
          %add3A_587 = arith.constant 10240 : i32
          %add3A_588 = arith.addi %add3A_262, %add3A_587 : i32
          %add3A_589 = arith.constant 128 : i32
          %add3A_590 = arith.addi %add3A_588, %add3A_589 : i32
          %swap3A_591 = arith.index_cast %add3A_590 : i32 to index
          %swap3A_592 = tpu.vector_load %arg9[%swap3A_591] {strides = array<i32>} : memref<20480xf32, #tpu.memory_space<vmem>>, vector<16xf32>,
          tpu.vector_store %arg9[%swap3A_591], %gather3A_482 {strides = array<i32>} : memref<20480xf32, #tpu.memory_space<vmem>>, vector<16xf32>,
          %add3A_593 = arith.constant 10240 : i32
          %add3A_594 = arith.addi %add3A_262, %add3A_593 : i32
          %add3A_595 = arith.constant 256 : i32
          %add3A_596 = arith.addi %add3A_594, %add3A_595 : i32
          %swap3A_597 = arith.index_cast %add3A_596 : i32 to index
          %swap3A_598 = tpu.vector_load %arg9[%swap3A_597] {strides = array<i32>} : memref<20480xf32, #tpu.memory_space<vmem>>, vector<16xf32>,
          tpu.vector_store %arg9[%swap3A_597], %gather3A_489 {strides = array<i32>} : memref<20480xf32, #tpu.memory_space<vmem>>, vector<16xf32>,
          %add3A_599 = arith.constant 10240 : i32
          %add3A_600 = arith.addi %add3A_262, %add3A_599 : i32
          %add3A_601 = arith.constant 384 : i32
          %add3A_602 = arith.addi %add3A_600, %add3A_601 : i32
          %swap3A_603 = arith.index_cast %add3A_602 : i32 to index
          %swap3A_604 = tpu.vector_load %arg9[%swap3A_603] {strides = array<i32>} : memref<20480xf32, #tpu.memory_space<vmem>>, vector<16xf32>,
          tpu.vector_store %arg9[%swap3A_603], %gather3A_496 {strides = array<i32>} : memref<20480xf32, #tpu.memory_space<vmem>>, vector<16xf32>,
          %add3A_605 = arith.constant 10240 : i32
          %add3A_606 = arith.addi %add3A_262, %add3A_605 : i32
          %add3A_607 = arith.constant 512 : i32
          %add3A_608 = arith.addi %add3A_606, %add3A_607 : i32
          %swap3A_609 = arith.index_cast %add3A_608 : i32 to index
          %swap3A_610 = tpu.vector_load %arg9[%swap3A_609] {strides = array<i32>} : memref<20480xf32, #tpu.memory_space<vmem>>, vector<16xf32>,
          tpu.vector_store %arg9[%swap3A_609], %gather3A_503 {strides = array<i32>} : memref<20480xf32, #tpu.memory_space<vmem>>, vector<16xf32>,
          %add3A_611 = arith.constant 10240 : i32
          %add3A_612 = arith.addi %add3A_262, %add3A_611 : i32
          %add3A_613 = arith.constant 640 : i32
          %add3A_614 = arith.addi %add3A_612, %add3A_613 : i32
          %swap3A_615 = arith.index_cast %add3A_614 : i32 to index
          %swap3A_616 = tpu.vector_load %arg9[%swap3A_615] {strides = array<i32>} : memref<20480xf32, #tpu.memory_space<vmem>>, vector<16xf32>,
          tpu.vector_store %arg9[%swap3A_615], %gather3A_510 {strides = array<i32>} : memref<20480xf32, #tpu.memory_space<vmem>>, vector<16xf32>,
          %add3A_617 = arith.constant 10240 : i32
          %add3A_618 = arith.addi %add3A_262, %add3A_617 : i32
          %add3A_619 = arith.constant 768 : i32
          %add3A_620 = arith.addi %add3A_618, %add3A_619 : i32
          %swap3A_621 = arith.index_cast %add3A_620 : i32 to index
          %swap3A_622 = tpu.vector_load %arg9[%swap3A_621] {strides = array<i32>} : memref<20480xf32, #tpu.memory_space<vmem>>, vector<16xf32>,
          tpu.vector_store %arg9[%swap3A_621], %gather3A_517 {strides = array<i32>} : memref<20480xf32, #tpu.memory_space<vmem>>, vector<16xf32>,
          %add3A_623 = arith.constant 10240 : i32
          %add3A_624 = arith.addi %add3A_262, %add3A_623 : i32
          %add3A_625 = arith.constant 896 : i32
          %add3A_626 = arith.addi %add3A_624, %add3A_625 : i32
          %swap3A_627 = arith.index_cast %add3A_626 : i32 to index
          %swap3A_628 = tpu.vector_load %arg9[%swap3A_627] {strides = array<i32>} : memref<20480xf32, #tpu.memory_space<vmem>>, vector<16xf32>,
          tpu.vector_store %arg9[%swap3A_627], %gather3A_524 {strides = array<i32>} : memref<20480xf32, #tpu.memory_space<vmem>>, vector<16xf32>,
          %add3A_629 = arith.constant 15360 : i32
          %add3A_630 = arith.addi %add3A_262, %add3A_629 : i32
          %add3A_631 = arith.constant 0 : i32
          %add3A_632 = arith.addi %add3A_630, %add3A_631 : i32
          %swap3A_633 = arith.index_cast %add3A_632 : i32 to index
          %swap3A_634 = tpu.vector_load %arg9[%swap3A_633] {strides = array<i32>} : memref<20480xf32, #tpu.memory_space<vmem>>, vector<16xf32>,
          tpu.vector_store %arg9[%swap3A_633], %gather3A_531 {strides = array<i32>} : memref<20480xf32, #tpu.memory_space<vmem>>, vector<16xf32>,
          %add3A_635 = arith.constant 15360 : i32
          %add3A_636 = arith.addi %add3A_262, %add3A_635 : i32
          %add3A_637 = arith.constant 128 : i32
          %add3A_638 = arith.addi %add3A_636, %add3A_637 : i32
          %swap3A_639 = arith.index_cast %add3A_638 : i32 to index
          %swap3A_640 = tpu.vector_load %arg9[%swap3A_639] {strides = array<i32>} : memref<20480xf32, #tpu.memory_space<vmem>>, vector<16xf32>,
          tpu.vector_store %arg9[%swap3A_639], %gather3A_538 {strides = array<i32>} : memref<20480xf32, #tpu.memory_space<vmem>>, vector<16xf32>,
          %add3A_641 = arith.constant 15360 : i32
          %add3A_642 = arith.addi %add3A_262, %add3A_641 : i32
          %add3A_643 = arith.constant 256 : i32
          %add3A_644 = arith.addi %add3A_642, %add3A_643 : i32
          %swap3A_645 = arith.index_cast %add3A_644 : i32 to index
          %swap3A_646 = tpu.vector_load %arg9[%swap3A_645] {strides = array<i32>} : memref<20480xf32, #tpu.memory_space<vmem>>, vector<16xf32>,
          tpu.vector_store %arg9[%swap3A_645], %gather3A_545 {strides = array<i32>} : memref<20480xf32, #tpu.memory_space<vmem>>, vector<16xf32>,
          %add3A_647 = arith.constant 15360 : i32
          %add3A_648 = arith.addi %add3A_262, %add3A_647 : i32
          %add3A_649 = arith.constant 384 : i32
          %add3A_650 = arith.addi %add3A_648, %add3A_649 : i32
          %swap3A_651 = arith.index_cast %add3A_650 : i32 to index
          %swap3A_652 = tpu.vector_load %arg9[%swap3A_651] {strides = array<i32>} : memref<20480xf32, #tpu.memory_space<vmem>>, vector<16xf32>,
          tpu.vector_store %arg9[%swap3A_651], %gather3A_552 {strides = array<i32>} : memref<20480xf32, #tpu.memory_space<vmem>>, vector<16xf32>,
          %add3A_653 = arith.constant 15360 : i32
          %add3A_654 = arith.addi %add3A_262, %add3A_653 : i32
          %add3A_655 = arith.constant 512 : i32
          %add3A_656 = arith.addi %add3A_654, %add3A_655 : i32
          %swap3A_657 = arith.index_cast %add3A_656 : i32 to index
          %swap3A_658 = tpu.vector_load %arg9[%swap3A_657] {strides = array<i32>} : memref<20480xf32, #tpu.memory_space<vmem>>, vector<16xf32>,
          tpu.vector_store %arg9[%swap3A_657], %gather3A_559 {strides = array<i32>} : memref<20480xf32, #tpu.memory_space<vmem>>, vector<16xf32>,
          %add3A_659 = arith.constant 15360 : i32
          %add3A_660 = arith.addi %add3A_262, %add3A_659 : i32
          %add3A_661 = arith.constant 640 : i32
          %add3A_662 = arith.addi %add3A_660, %add3A_661 : i32
          %swap3A_663 = arith.index_cast %add3A_662 : i32 to index
          %swap3A_664 = tpu.vector_load %arg9[%swap3A_663] {strides = array<i32>} : memref<20480xf32, #tpu.memory_space<vmem>>, vector<16xf32>,
          tpu.vector_store %arg9[%swap3A_663], %gather3A_566 {strides = array<i32>} : memref<20480xf32, #tpu.memory_space<vmem>>, vector<16xf32>,
          %add3A_665 = arith.constant 15360 : i32
          %add3A_666 = arith.addi %add3A_262, %add3A_665 : i32
          %add3A_667 = arith.constant 768 : i32
          %add3A_668 = arith.addi %add3A_666, %add3A_667 : i32
          %swap3A_669 = arith.index_cast %add3A_668 : i32 to index
          %swap3A_670 = tpu.vector_load %arg9[%swap3A_669] {strides = array<i32>} : memref<20480xf32, #tpu.memory_space<vmem>>, vector<16xf32>,
          tpu.vector_store %arg9[%swap3A_669], %gather3A_573 {strides = array<i32>} : memref<20480xf32, #tpu.memory_space<vmem>>, vector<16xf32>,
          %add3A_671 = arith.constant 15360 : i32
          %add3A_672 = arith.addi %add3A_262, %add3A_671 : i32
          %add3A_673 = arith.constant 896 : i32
          %add3A_674 = arith.addi %add3A_672, %add3A_673 : i32
          %swap3A_675 = arith.index_cast %add3A_674 : i32 to index
          %swap3A_676 = tpu.vector_load %arg9[%swap3A_675] {strides = array<i32>} : memref<20480xf32, #tpu.memory_space<vmem>>, vector<16xf32>,
          tpu.vector_store %arg9[%swap3A_675], %gather3A_580 {strides = array<i32>} : memref<20480xf32, #tpu.memory_space<vmem>>, vector<16xf32>,
        }
        %scan3A_135 = arith.constant 40 : i32
        %mul3A_136 = arith.constant 32 : i32
        %mul3A_137 = arith.muli %add3A_112, %mul3A_136 : i32
        %add3A_138 = arith.addi %add3A, %mul3A_137 : i32
        %mul3A_139 = arith.constant 5 : i32
        %mul3A_140 = arith.muli %add3A_138, %mul3A_139 : i32
        %add3A_141 = arith.constant 0 : i32
        %add3A_142 = arith.addi %add3A_141, %mul3A_140 : i32
        %mul3A_143 = arith.constant 1024 : i32
        %mul3A_144 = arith.muli %add3A_142, %mul3A_143 : i32
        %dma_start3A_145 = arith.constant 0 : i32
        %dma_start3A_146 = tpu.memref_slice %arg9[%dma_start3A_145] : memref<20480xf32, #tpu.memory_space<vmem>> -> memref<5120xf32, #tpu.memory_space<vmem>>
        %dma_start3A_147 = tpu.memref_slice %arg6[%mul3A_144] : memref<51200000xf32, #tpu.memory_space<hbm>> -> memref<5120xf32, #tpu.memory_space<hbm>>
        %dma_start3A_148 = tpu.memref_slice %arg6[%mul3A_144] : memref<51200000xf32, #tpu.memory_space<hbm>> -> memref<5120xf32, #tpu.memory_space<hbm>>
        %dma_start3A_149 = arith.constant 0 : i32
        %dma_start3A_150 = tpu.memref_slice %arg9[%dma_start3A_149] : memref<20480xf32, #tpu.memory_space<vmem>> -> memref<5120xf32, #tpu.memory_space<vmem>>
        tpu.enqueue_dma source(%dma_start3A_150 : memref<5120xf32, #tpu.memory_space<vmem>>) target(%dma_start3A_148 : memref<5120xf32, #tpu.memory_space<hbm>>) target_semaphore(%arg17 : memref<!tpu.dma_semaphore, #tpu.memory_space<semaphore_mem>>)
        %mul3A_151 = arith.constant 5 : i32
        %mul3A_152 = arith.muli %add3A_138, %mul3A_151 : i32
        %add3A_153 = arith.constant 12500 : i32
        %add3A_154 = arith.addi %add3A_153, %mul3A_152 : i32
        %mul3A_155 = arith.constant 1024 : i32
        %mul3A_156 = arith.muli %add3A_154, %mul3A_155 : i32
        %dma_start3A_157 = arith.constant 5120 : i32
        %dma_start3A_158 = tpu.memref_slice %arg9[%dma_start3A_157] : memref<20480xf32, #tpu.memory_space<vmem>> -> memref<5120xf32, #tpu.memory_space<vmem>>
        %dma_start3A_159 = tpu.memref_slice %arg6[%mul3A_156] : memref<51200000xf32, #tpu.memory_space<hbm>> -> memref<5120xf32, #tpu.memory_space<hbm>>
        %dma_start3A_160 = tpu.memref_slice %arg6[%mul3A_156] : memref<51200000xf32, #tpu.memory_space<hbm>> -> memref<5120xf32, #tpu.memory_space<hbm>>
        %dma_start3A_161 = arith.constant 5120 : i32
        %dma_start3A_162 = tpu.memref_slice %arg9[%dma_start3A_161] : memref<20480xf32, #tpu.memory_space<vmem>> -> memref<5120xf32, #tpu.memory_space<vmem>>
        tpu.enqueue_dma source(%dma_start3A_162 : memref<5120xf32, #tpu.memory_space<vmem>>) target(%dma_start3A_160 : memref<5120xf32, #tpu.memory_space<hbm>>) target_semaphore(%arg17 : memref<!tpu.dma_semaphore, #tpu.memory_space<semaphore_mem>>)
        %mul3A_163 = arith.constant 5 : i32
        %mul3A_164 = arith.muli %add3A_138, %mul3A_163 : i32
        %add3A_165 = arith.constant 25000 : i32
        %add3A_166 = arith.addi %add3A_165, %mul3A_164 : i32
        %mul3A_167 = arith.constant 1024 : i32
        %mul3A_168 = arith.muli %add3A_166, %mul3A_167 : i32
        %dma_start3A_169 = arith.constant 10240 : i32
        %dma_start3A_170 = tpu.memref_slice %arg9[%dma_start3A_169] : memref<20480xf32, #tpu.memory_space<vmem>> -> memref<5120xf32, #tpu.memory_space<vmem>>
        %dma_start3A_171 = tpu.memref_slice %arg6[%mul3A_168] : memref<51200000xf32, #tpu.memory_space<hbm>> -> memref<5120xf32, #tpu.memory_space<hbm>>
        %dma_start3A_172 = tpu.memref_slice %arg6[%mul3A_168] : memref<51200000xf32, #tpu.memory_space<hbm>> -> memref<5120xf32, #tpu.memory_space<hbm>>
        %dma_start3A_173 = arith.constant 10240 : i32
        %dma_start3A_174 = tpu.memref_slice %arg9[%dma_start3A_173] : memref<20480xf32, #tpu.memory_space<vmem>> -> memref<5120xf32, #tpu.memory_space<vmem>>
        tpu.enqueue_dma source(%dma_start3A_174 : memref<5120xf32, #tpu.memory_space<vmem>>) target(%dma_start3A_172 : memref<5120xf32, #tpu.memory_space<hbm>>) target_semaphore(%arg17 : memref<!tpu.dma_semaphore, #tpu.memory_space<semaphore_mem>>)
        %mul3A_175 = arith.constant 5 : i32
        %mul3A_176 = arith.muli %add3A_138, %mul3A_175 : i32
        %add3A_177 = arith.constant 37500 : i32
        %add3A_178 = arith.addi %add3A_177, %mul3A_176 : i32
        %mul3A_179 = arith.constant 1024 : i32
        %mul3A_180 = arith.muli %add3A_178, %mul3A_179 : i32
        %dma_start3A_181 = arith.constant 15360 : i32
        %dma_start3A_182 = tpu.memref_slice %arg9[%dma_start3A_181] : memref<20480xf32, #tpu.memory_space<vmem>> -> memref<5120xf32, #tpu.memory_space<vmem>>
        %dma_start3A_183 = tpu.memref_slice %arg6[%mul3A_180] : memref<51200000xf32, #tpu.memory_space<hbm>> -> memref<5120xf32, #tpu.memory_space<hbm>>
        %dma_start3A_184 = tpu.memref_slice %arg6[%mul3A_180] : memref<51200000xf32, #tpu.memory_space<hbm>> -> memref<5120xf32, #tpu.memory_space<hbm>>
        %dma_start3A_185 = arith.constant 15360 : i32
        %dma_start3A_186 = tpu.memref_slice %arg9[%dma_start3A_185] : memref<20480xf32, #tpu.memory_space<vmem>> -> memref<5120xf32, #tpu.memory_space<vmem>>
        tpu.enqueue_dma source(%dma_start3A_186 : memref<5120xf32, #tpu.memory_space<vmem>>) target(%dma_start3A_184 : memref<5120xf32, #tpu.memory_space<hbm>>) target_semaphore(%arg17 : memref<!tpu.dma_semaphore, #tpu.memory_space<semaphore_mem>>)
        %add3A_187 = arith.constant 2 : i32
        %add3A_188 = arith.addi %add3A_112, %add3A_187 : i32
        %lt3A_189 = arith.cmpi slt, %add3A_188, %select_n3A : i32
        %convert_element_type3A_190 = arith.extui %lt3A_189 : i1 to i32
        %cond3A_191 = arith.constant 0 : i32
        %cond3A_192 = arith.cmpi ne, %convert_element_type3A_190, %cond3A_191 : i32
        scf.if %cond3A_192 {
          %add3A_193 = arith.constant 2 : i32
          %add3A_194 = arith.addi %add3A_112, %add3A_193 : i32
          %mul3A_195 = arith.constant 32 : i32
          %mul3A_196 = arith.muli %add3A_194, %mul3A_195 : i32
          %add3A_197 = arith.addi %add3A, %mul3A_196 : i32
          %mul3A_198 = arith.constant 640 : i32
          %mul3A_199 = arith.muli %add3A_197, %mul3A_198 : i32
          %dma_start3A_200 = tpu.memref_slice %arg2[%mul3A_199] : memref<1600000xi32, #tpu.memory_space<hbm>> -> memref<640xi32, #tpu.memory_space<hbm>>
          %dma_start3A_201 = tpu.memref_slice %arg2[%mul3A_199] : memref<1600000xi32, #tpu.memory_space<hbm>> -> memref<640xi32, #tpu.memory_space<hbm>>
          tpu.enqueue_dma source(%dma_start3A_201 : memref<640xi32, #tpu.memory_space<hbm>>) target(%arg7 : memref<640xi32, #tpu.memory_space<vmem>>) target_semaphore(%arg15 : memref<!tpu.dma_semaphore, #tpu.memory_space<semaphore_mem>>)
        } else {
        }
      } else {
      }
      %mul3A_114 = arith.constant 2 : i32
      %mul3A_115 = arith.muli %scan3A_108, %mul3A_114 : i32
      %add3A_116 = arith.constant 1 : i32
      %add3A_117 = arith.addi %mul3A_115, %add3A_116 : i32
      %lt3A_118 = arith.cmpi slt, %add3A_117, %select_n3A : i32
      %convert_element_type3A_119 = arith.extui %lt3A_118 : i1 to i32
      %cond3A_120 = arith.constant 0 : i32
      %cond3A_121 = arith.cmpi ne, %convert_element_type3A_119, %cond3A_120 : i32
      scf.if %cond3A_121 {
        %dma_wait3A_122 = arith.constant 0 : i32
        %dma_wait3A_123 = tpu.memref_slice %arg2[%dma_wait3A_122] : memref<1600000xi32, #tpu.memory_space<hbm>> -> memref<640xi32, #tpu.memory_space<hbm>>
        %dma_wait3A_124 = arith.constant 0 : i32
        %dma_wait3A_125 = tpu.memref_slice %arg2[%dma_wait3A_124] : memref<1600000xi32, #tpu.memory_space<hbm>> -> memref<640xi32, #tpu.memory_space<hbm>>
        tpu.wait_dma2 semaphore(%arg16 : memref<!tpu.dma_semaphore, #tpu.memory_space<semaphore_mem>>) src(%dma_wait3A_125 : memref<640xi32, #tpu.memory_space<hbm>>) dst(%arg8 : memref<640xi32, #tpu.memory_space<vmem>>)
        %ge3A = arith.constant 2 : i32
        %ge3A_126 = arith.cmpi sge, %add3A_117, %ge3A : i32
        %convert_element_type3A_127 = arith.extui %ge3A_126 : i1 to i32
        %cond3A_128 = arith.constant 0 : i32
        %cond3A_129 = arith.cmpi ne, %convert_element_type3A_127, %cond3A_128 : i32
        scf.if %cond3A_129 {
          %dma_wait3A_193 = arith.constant 0 : i32
          %dma_wait3A_194 = tpu.memref_slice %arg10[%dma_wait3A_193] : memref<20480xf32, #tpu.memory_space<vmem>> -> memref<5120xf32, #tpu.memory_space<vmem>>
          %dma_wait3A_195 = arith.constant 0 : i32
          %dma_wait3A_196 = tpu.memref_slice %arg6[%dma_wait3A_195] : memref<51200000xf32, #tpu.memory_space<hbm>> -> memref<5120xf32, #tpu.memory_space<hbm>>
          %dma_wait3A_197 = arith.constant 0 : i32
          %dma_wait3A_198 = tpu.memref_slice %arg6[%dma_wait3A_197] : memref<51200000xf32, #tpu.memory_space<hbm>> -> memref<5120xf32, #tpu.memory_space<hbm>>
          %dma_wait3A_199 = arith.constant 0 : i32
          %dma_wait3A_200 = tpu.memref_slice %arg10[%dma_wait3A_199] : memref<20480xf32, #tpu.memory_space<vmem>> -> memref<5120xf32, #tpu.memory_space<vmem>>
          tpu.wait_dma2 semaphore(%arg18 : memref<!tpu.dma_semaphore, #tpu.memory_space<semaphore_mem>>) src(%dma_wait3A_200 : memref<5120xf32, #tpu.memory_space<vmem>>) dst(%dma_wait3A_198 : memref<5120xf32, #tpu.memory_space<hbm>>)
          %dma_wait3A_201 = arith.constant 5120 : i32
          %dma_wait3A_202 = tpu.memref_slice %arg10[%dma_wait3A_201] : memref<20480xf32, #tpu.memory_space<vmem>> -> memref<5120xf32, #tpu.memory_space<vmem>>
          %dma_wait3A_203 = arith.constant 5120 : i32
          %dma_wait3A_204 = tpu.memref_slice %arg6[%dma_wait3A_203] : memref<51200000xf32, #tpu.memory_space<hbm>> -> memref<5120xf32, #tpu.memory_space<hbm>>
          %dma_wait3A_205 = arith.constant 5120 : i32
          %dma_wait3A_206 = tpu.memref_slice %arg6[%dma_wait3A_205] : memref<51200000xf32, #tpu.memory_space<hbm>> -> memref<5120xf32, #tpu.memory_space<hbm>>
          %dma_wait3A_207 = arith.constant 5120 : i32
          %dma_wait3A_208 = tpu.memref_slice %arg10[%dma_wait3A_207] : memref<20480xf32, #tpu.memory_space<vmem>> -> memref<5120xf32, #tpu.memory_space<vmem>>
          tpu.wait_dma2 semaphore(%arg18 : memref<!tpu.dma_semaphore, #tpu.memory_space<semaphore_mem>>) src(%dma_wait3A_208 : memref<5120xf32, #tpu.memory_space<vmem>>) dst(%dma_wait3A_206 : memref<5120xf32, #tpu.memory_space<hbm>>)
          %dma_wait3A_209 = arith.constant 10240 : i32
          %dma_wait3A_210 = tpu.memref_slice %arg10[%dma_wait3A_209] : memref<20480xf32, #tpu.memory_space<vmem>> -> memref<5120xf32, #tpu.memory_space<vmem>>
          %dma_wait3A_211 = arith.constant 10240 : i32
          %dma_wait3A_212 = tpu.memref_slice %arg6[%dma_wait3A_211] : memref<51200000xf32, #tpu.memory_space<hbm>> -> memref<5120xf32, #tpu.memory_space<hbm>>
          %dma_wait3A_213 = arith.constant 10240 : i32
          %dma_wait3A_214 = tpu.memref_slice %arg6[%dma_wait3A_213] : memref<51200000xf32, #tpu.memory_space<hbm>> -> memref<5120xf32, #tpu.memory_space<hbm>>
          %dma_wait3A_215 = arith.constant 10240 : i32
          %dma_wait3A_216 = tpu.memref_slice %arg10[%dma_wait3A_215] : memref<20480xf32, #tpu.memory_space<vmem>> -> memref<5120xf32, #tpu.memory_space<vmem>>
          tpu.wait_dma2 semaphore(%arg18 : memref<!tpu.dma_semaphore, #tpu.memory_space<semaphore_mem>>) src(%dma_wait3A_216 : memref<5120xf32, #tpu.memory_space<vmem>>) dst(%dma_wait3A_214 : memref<5120xf32, #tpu.memory_space<hbm>>)
          %dma_wait3A_217 = arith.constant 15360 : i32
          %dma_wait3A_218 = tpu.memref_slice %arg10[%dma_wait3A_217] : memref<20480xf32, #tpu.memory_space<vmem>> -> memref<5120xf32, #tpu.memory_space<vmem>>
          %dma_wait3A_219 = arith.constant 15360 : i32
          %dma_wait3A_220 = tpu.memref_slice %arg6[%dma_wait3A_219] : memref<51200000xf32, #tpu.memory_space<hbm>> -> memref<5120xf32, #tpu.memory_space<hbm>>
          %dma_wait3A_221 = arith.constant 15360 : i32
          %dma_wait3A_222 = tpu.memref_slice %arg6[%dma_wait3A_221] : memref<51200000xf32, #tpu.memory_space<hbm>> -> memref<5120xf32, #tpu.memory_space<hbm>>
          %dma_wait3A_223 = arith.constant 15360 : i32
          %dma_wait3A_224 = tpu.memref_slice %arg10[%dma_wait3A_223] : memref<20480xf32, #tpu.memory_space<vmem>> -> memref<5120xf32, #tpu.memory_space<vmem>>
          tpu.wait_dma2 semaphore(%arg18 : memref<!tpu.dma_semaphore, #tpu.memory_space<semaphore_mem>>) src(%dma_wait3A_224 : memref<5120xf32, #tpu.memory_space<vmem>>) dst(%dma_wait3A_222 : memref<5120xf32, #tpu.memory_space<hbm>>)
        } else {
        }
        %scan3A_130 = arith.constant 0 : i32
        %scan3A_131 = arith.constant 0 : i32
        %scan3A_132 = arith.constant 40 : i32
        %scan3A_133 = arith.addi %scan3A_131, %scan3A_132 : i32
        %scan3A_134 = arith.constant 1 : i32
        scf.for %scan3A_193 = %scan3A_131 to %scan3A_133 step %scan3A_134  : i32 {
          %mul3A_194 = arith.constant 16 : i32
          %mul3A_195 = arith.muli %scan3A_193, %mul3A_194 : i32
          %get3A = arith.index_cast %mul3A_195 : i32 to index
          %get3A_196 = tpu.vector_load %arg8[%get3A] {strides = array<i32>} : memref<640xi32, #tpu.memory_space<vmem>>, vector<16xi32>,
          %and3A_197 = arith.constant 255 : i32
          %and3A_198 = vector.broadcast %and3A_197 : i32 to vector<16xi32>
          %and3A_199 = arith.andi %get3A_196, %and3A_198 : vector<16xi32>
          %shift_right_arithmetic3A = arith.constant 8 : i32
          %shift_right_arithmetic3A_200 = vector.broadcast %shift_right_arithmetic3A : i32 to vector<16xi32>
          %shift_right_arithmetic3A_201 = arith.shrsi %get3A_196, %shift_right_arithmetic3A_200 : vector<16xi32>
          %and3A_202 = arith.constant 255 : i32
          %and3A_203 = vector.broadcast %and3A_202 : i32 to vector<16xi32>
          %and3A_204 = arith.andi %shift_right_arithmetic3A_201, %and3A_203 : vector<16xi32>
          %shift_right_arithmetic3A_205 = arith.constant 16 : i32
          %shift_right_arithmetic3A_206 = vector.broadcast %shift_right_arithmetic3A_205 : i32 to vector<16xi32>
          %shift_right_arithmetic3A_207 = arith.shrsi %get3A_196, %shift_right_arithmetic3A_206 : vector<16xi32>
          %mul3A_208 = arith.constant 12 : i32
          %mul3A_209 = vector.broadcast %mul3A_208 : i32 to vector<16xi32>
          %mul3A_210 = arith.muli %and3A_199, %mul3A_209 : vector<16xi32>
          %mul3A_211 = arith.constant 2 : i32
          %mul3A_212 = vector.broadcast %mul3A_211 : i32 to vector<16xi32>
          %mul3A_213 = arith.muli %and3A_204, %mul3A_212 : vector<16xi32>
          %add3A_214 = arith.addi %mul3A_210, %mul3A_213 : vector<16xi32>
          %add3A_215 = arith.addi %add3A_214, %shift_right_arithmetic3A_207 : vector<16xi32>
          %mul3A_216 = arith.constant 33 : i32
          %mul3A_217 = vector.broadcast %mul3A_216 : i32 to vector<16xi32>
          %mul3A_218 = arith.muli %add3A_215, %mul3A_217 : vector<16xi32>
          %jit3A_219 = arith.constant 8 : i32
          %div3A_220 = arith.divsi %scan3A_193, %jit3A_219 : i32
          %sign3A_221 = arith.constant 0 : i32
          %sign3A_222 = arith.cmpi sgt, %scan3A_193, %sign3A_221 : i32
          %sign3A_223 = arith.extui %sign3A_222 : i1 to i32
          %sign3A_224 = arith.constant 0 : i32
          %sign3A_225 = arith.cmpi slt, %scan3A_193, %sign3A_224 : i32
          %sign3A_226 = arith.extui %sign3A_225 : i1 to i32
          %sign3A_227 = arith.subi %sign3A_223, %sign3A_226 : i32
          %sign3A_228 = arith.constant 0 : i32
          %sign3A_229 = arith.cmpi sgt, %jit3A_219, %sign3A_228 : i32
          %sign3A_230 = arith.extui %sign3A_229 : i1 to i32
          %sign3A_231 = arith.constant 0 : i32
          %sign3A_232 = arith.cmpi slt, %jit3A_219, %sign3A_231 : i32
          %sign3A_233 = arith.extui %sign3A_232 : i1 to i32
          %sign3A_234 = arith.subi %sign3A_230, %sign3A_233 : i32
          %ne3A_235 = arith.cmpi ne, %sign3A_227, %sign3A_234 : i32
          %rem3A_236 = arith.remsi %scan3A_193, %jit3A_219 : i32
          %ne3A_237 = arith.constant 0 : i32
          %ne3A_238 = arith.cmpi ne, %rem3A_236, %ne3A_237 : i32
          %and3A_239 = arith.andi %ne3A_235, %ne3A_238 : i1
          %sub3A_240 = arith.constant 1 : i32
          %sub3A_241 = arith.subi %div3A_220, %sub3A_240 : i32
          %select_n3A_242 = arith.select %and3A_239, %sub3A_241, %div3A_220 : i32
          %mul3A_243 = arith.constant 1024 : i32
          %mul3A_244 = arith.muli %select_n3A_242, %mul3A_243 : i32
          %jit3A_245 = arith.constant 8 : i32
          %eq3A = arith.constant 0 : i32
          %eq3A_246 = arith.cmpi eq, %jit3A_245, %eq3A : i32
          %jit3A_247 = arith.constant 1 : i32
          %select_n3A_248 = arith.select %eq3A_246, %jit3A_247, %jit3A_245 : i32
          %rem3A_249 = arith.remsi %scan3A_193, %select_n3A_248 : i32
          %ne3A_250 = arith.constant 0 : i32
          %ne3A_251 = arith.cmpi ne, %rem3A_249, %ne3A_250 : i32
          %lt3A_252 = arith.constant 0 : i32
          %lt3A_253 = arith.cmpi slt, %rem3A_249, %lt3A_252 : i32
          %lt3A_254 = arith.constant 0 : i32
          %lt3A_255 = arith.cmpi slt, %select_n3A_248, %lt3A_254 : i32
          %ne3A_256 = arith.xori %lt3A_253, %lt3A_255 : i1
          %and3A_257 = arith.andi %ne3A_256, %ne3A_251 : i1
          %add3A_258 = arith.addi %rem3A_249, %select_n3A_248 : i32
          %select_n3A_259 = arith.select %and3A_257, %add3A_258, %rem3A_249 : i32
          %mul3A_260 = arith.constant 16 : i32
          %mul3A_261 = arith.muli %select_n3A_259, %mul3A_260 : i32
          %add3A_262 = arith.addi %mul3A_244, %mul3A_261 : i32
          %add3A_263 = arith.constant 0 : i32
          %add3A_264 = vector.broadcast %add3A_263 : i32 to vector<16xi32>
          %add3A_265 = arith.addi %mul3A_218, %add3A_264 : vector<16xi32>
          %add3A_266 = arith.constant 0 : i32
          %add3A_267 = vector.broadcast %add3A_266 : i32 to vector<16xi32>
          %add3A_268 = arith.addi %add3A_265, %add3A_267 : vector<16xi32>
          %gather3A = tpu.vector_load_idx %arg11[%add3A_268] : memref<8712xf32, #tpu.memory_space<vmem>>[vector<16xi32>], vector<16xf32>,
          %add3A_269 = arith.constant 0 : i32
          %add3A_270 = vector.broadcast %add3A_269 : i32 to vector<16xi32>
          %add3A_271 = arith.addi %mul3A_218, %add3A_270 : vector<16xi32>
          %add3A_272 = arith.constant 1 : i32
          %add3A_273 = vector.broadcast %add3A_272 : i32 to vector<16xi32>
          %add3A_274 = arith.addi %add3A_271, %add3A_273 : vector<16xi32>
          %gather3A_275 = tpu.vector_load_idx %arg11[%add3A_274] : memref<8712xf32, #tpu.memory_space<vmem>>[vector<16xi32>], vector<16xf32>,
          %add3A_276 = arith.constant 0 : i32
          %add3A_277 = vector.broadcast %add3A_276 : i32 to vector<16xi32>
          %add3A_278 = arith.addi %mul3A_218, %add3A_277 : vector<16xi32>
          %add3A_279 = arith.constant 2 : i32
          %add3A_280 = vector.broadcast %add3A_279 : i32 to vector<16xi32>
          %add3A_281 = arith.addi %add3A_278, %add3A_280 : vector<16xi32>
          %gather3A_282 = tpu.vector_load_idx %arg11[%add3A_281] : memref<8712xf32, #tpu.memory_space<vmem>>[vector<16xi32>], vector<16xf32>,
          %add3A_283 = arith.constant 0 : i32
          %add3A_284 = vector.broadcast %add3A_283 : i32 to vector<16xi32>
          %add3A_285 = arith.addi %mul3A_218, %add3A_284 : vector<16xi32>
          %add3A_286 = arith.constant 3 : i32
          %add3A_287 = vector.broadcast %add3A_286 : i32 to vector<16xi32>
          %add3A_288 = arith.addi %add3A_285, %add3A_287 : vector<16xi32>
          %gather3A_289 = tpu.vector_load_idx %arg11[%add3A_288] : memref<8712xf32, #tpu.memory_space<vmem>>[vector<16xi32>], vector<16xf32>,
          %add3A_290 = arith.constant 0 : i32
          %add3A_291 = vector.broadcast %add3A_290 : i32 to vector<16xi32>
          %add3A_292 = arith.addi %mul3A_218, %add3A_291 : vector<16xi32>
          %add3A_293 = arith.constant 4 : i32
          %add3A_294 = vector.broadcast %add3A_293 : i32 to vector<16xi32>
          %add3A_295 = arith.addi %add3A_292, %add3A_294 : vector<16xi32>
          %gather3A_296 = tpu.vector_load_idx %arg11[%add3A_295] : memref<8712xf32, #tpu.memory_space<vmem>>[vector<16xi32>], vector<16xf32>,
          %add3A_297 = arith.constant 0 : i32
          %add3A_298 = vector.broadcast %add3A_297 : i32 to vector<16xi32>
          %add3A_299 = arith.addi %mul3A_218, %add3A_298 : vector<16xi32>
          %add3A_300 = arith.constant 5 : i32
          %add3A_301 = vector.broadcast %add3A_300 : i32 to vector<16xi32>
          %add3A_302 = arith.addi %add3A_299, %add3A_301 : vector<16xi32>
          %gather3A_303 = tpu.vector_load_idx %arg11[%add3A_302] : memref<8712xf32, #tpu.memory_space<vmem>>[vector<16xi32>], vector<16xf32>,
          %add3A_304 = arith.constant 0 : i32
          %add3A_305 = vector.broadcast %add3A_304 : i32 to vector<16xi32>
          %add3A_306 = arith.addi %mul3A_218, %add3A_305 : vector<16xi32>
          %add3A_307 = arith.constant 6 : i32
          %add3A_308 = vector.broadcast %add3A_307 : i32 to vector<16xi32>
          %add3A_309 = arith.addi %add3A_306, %add3A_308 : vector<16xi32>
          %gather3A_310 = tpu.vector_load_idx %arg11[%add3A_309] : memref<8712xf32, #tpu.memory_space<vmem>>[vector<16xi32>], vector<16xf32>,
          %add3A_311 = arith.constant 0 : i32
          %add3A_312 = vector.broadcast %add3A_311 : i32 to vector<16xi32>
          %add3A_313 = arith.addi %mul3A_218, %add3A_312 : vector<16xi32>
          %add3A_314 = arith.constant 7 : i32
          %add3A_315 = vector.broadcast %add3A_314 : i32 to vector<16xi32>
          %add3A_316 = arith.addi %add3A_313, %add3A_315 : vector<16xi32>
          %gather3A_317 = tpu.vector_load_idx %arg11[%add3A_316] : memref<8712xf32, #tpu.memory_space<vmem>>[vector<16xi32>], vector<16xf32>,
          %add3A_318 = arith.constant 0 : i32
          %add3A_319 = vector.broadcast %add3A_318 : i32 to vector<16xi32>
          %add3A_320 = arith.addi %mul3A_218, %add3A_319 : vector<16xi32>
          %add3A_321 = arith.constant 8 : i32
          %add3A_322 = vector.broadcast %add3A_321 : i32 to vector<16xi32>
          %add3A_323 = arith.addi %add3A_320, %add3A_322 : vector<16xi32>
          %gather3A_324 = tpu.vector_load_idx %arg11[%add3A_323] : memref<8712xf32, #tpu.memory_space<vmem>>[vector<16xi32>], vector<16xf32>,
          %add3A_325 = arith.constant 0 : i32
          %add3A_326 = vector.broadcast %add3A_325 : i32 to vector<16xi32>
          %add3A_327 = arith.addi %mul3A_218, %add3A_326 : vector<16xi32>
          %add3A_328 = arith.constant 9 : i32
          %add3A_329 = vector.broadcast %add3A_328 : i32 to vector<16xi32>
          %add3A_330 = arith.addi %add3A_327, %add3A_329 : vector<16xi32>
          %gather3A_331 = tpu.vector_load_idx %arg11[%add3A_330] : memref<8712xf32, #tpu.memory_space<vmem>>[vector<16xi32>], vector<16xf32>,
          %add3A_332 = arith.constant 0 : i32
          %add3A_333 = vector.broadcast %add3A_332 : i32 to vector<16xi32>
          %add3A_334 = arith.addi %mul3A_218, %add3A_333 : vector<16xi32>
          %add3A_335 = arith.constant 10 : i32
          %add3A_336 = vector.broadcast %add3A_335 : i32 to vector<16xi32>
          %add3A_337 = arith.addi %add3A_334, %add3A_336 : vector<16xi32>
          %gather3A_338 = tpu.vector_load_idx %arg11[%add3A_337] : memref<8712xf32, #tpu.memory_space<vmem>>[vector<16xi32>], vector<16xf32>,
          %add3A_339 = arith.constant 0 : i32
          %add3A_340 = vector.broadcast %add3A_339 : i32 to vector<16xi32>
          %add3A_341 = arith.addi %mul3A_218, %add3A_340 : vector<16xi32>
          %add3A_342 = arith.constant 11 : i32
          %add3A_343 = vector.broadcast %add3A_342 : i32 to vector<16xi32>
          %add3A_344 = arith.addi %add3A_341, %add3A_343 : vector<16xi32>
          %gather3A_345 = tpu.vector_load_idx %arg11[%add3A_344] : memref<8712xf32, #tpu.memory_space<vmem>>[vector<16xi32>], vector<16xf32>,
          %add3A_346 = arith.constant 0 : i32
          %add3A_347 = vector.broadcast %add3A_346 : i32 to vector<16xi32>
          %add3A_348 = arith.addi %mul3A_218, %add3A_347 : vector<16xi32>
          %add3A_349 = arith.constant 12 : i32
          %add3A_350 = vector.broadcast %add3A_349 : i32 to vector<16xi32>
          %add3A_351 = arith.addi %add3A_348, %add3A_350 : vector<16xi32>
          %gather3A_352 = tpu.vector_load_idx %arg11[%add3A_351] : memref<8712xf32, #tpu.memory_space<vmem>>[vector<16xi32>], vector<16xf32>,
          %add3A_353 = arith.constant 0 : i32
          %add3A_354 = vector.broadcast %add3A_353 : i32 to vector<16xi32>
          %add3A_355 = arith.addi %mul3A_218, %add3A_354 : vector<16xi32>
          %add3A_356 = arith.constant 13 : i32
          %add3A_357 = vector.broadcast %add3A_356 : i32 to vector<16xi32>
          %add3A_358 = arith.addi %add3A_355, %add3A_357 : vector<16xi32>
          %gather3A_359 = tpu.vector_load_idx %arg11[%add3A_358] : memref<8712xf32, #tpu.memory_space<vmem>>[vector<16xi32>], vector<16xf32>,
          %add3A_360 = arith.constant 0 : i32
          %add3A_361 = vector.broadcast %add3A_360 : i32 to vector<16xi32>
          %add3A_362 = arith.addi %mul3A_218, %add3A_361 : vector<16xi32>
          %add3A_363 = arith.constant 14 : i32
          %add3A_364 = vector.broadcast %add3A_363 : i32 to vector<16xi32>
          %add3A_365 = arith.addi %add3A_362, %add3A_364 : vector<16xi32>
          %gather3A_366 = tpu.vector_load_idx %arg11[%add3A_365] : memref<8712xf32, #tpu.memory_space<vmem>>[vector<16xi32>], vector<16xf32>,
          %add3A_367 = arith.constant 0 : i32
          %add3A_368 = vector.broadcast %add3A_367 : i32 to vector<16xi32>
          %add3A_369 = arith.addi %mul3A_218, %add3A_368 : vector<16xi32>
          %add3A_370 = arith.constant 15 : i32
          %add3A_371 = vector.broadcast %add3A_370 : i32 to vector<16xi32>
          %add3A_372 = arith.addi %add3A_369, %add3A_371 : vector<16xi32>
          %gather3A_373 = tpu.vector_load_idx %arg11[%add3A_372] : memref<8712xf32, #tpu.memory_space<vmem>>[vector<16xi32>], vector<16xf32>,
          %add3A_374 = arith.constant 0 : i32
          %add3A_375 = arith.addi %add3A_262, %add3A_374 : i32
          %add3A_376 = arith.constant 0 : i32
          %add3A_377 = arith.addi %add3A_375, %add3A_376 : i32
          %swap3A = arith.index_cast %add3A_377 : i32 to index
          %swap3A_378 = tpu.vector_load %arg10[%swap3A] {strides = array<i32>} : memref<20480xf32, #tpu.memory_space<vmem>>, vector<16xf32>,
          tpu.vector_store %arg10[%swap3A], %gather3A {strides = array<i32>} : memref<20480xf32, #tpu.memory_space<vmem>>, vector<16xf32>,
          %add3A_379 = arith.constant 0 : i32
          %add3A_380 = arith.addi %add3A_262, %add3A_379 : i32
          %add3A_381 = arith.constant 128 : i32
          %add3A_382 = arith.addi %add3A_380, %add3A_381 : i32
          %swap3A_383 = arith.index_cast %add3A_382 : i32 to index
          %swap3A_384 = tpu.vector_load %arg10[%swap3A_383] {strides = array<i32>} : memref<20480xf32, #tpu.memory_space<vmem>>, vector<16xf32>,
          tpu.vector_store %arg10[%swap3A_383], %gather3A_275 {strides = array<i32>} : memref<20480xf32, #tpu.memory_space<vmem>>, vector<16xf32>,
          %add3A_385 = arith.constant 0 : i32
          %add3A_386 = arith.addi %add3A_262, %add3A_385 : i32
          %add3A_387 = arith.constant 256 : i32
          %add3A_388 = arith.addi %add3A_386, %add3A_387 : i32
          %swap3A_389 = arith.index_cast %add3A_388 : i32 to index
          %swap3A_390 = tpu.vector_load %arg10[%swap3A_389] {strides = array<i32>} : memref<20480xf32, #tpu.memory_space<vmem>>, vector<16xf32>,
          tpu.vector_store %arg10[%swap3A_389], %gather3A_282 {strides = array<i32>} : memref<20480xf32, #tpu.memory_space<vmem>>, vector<16xf32>,
          %add3A_391 = arith.constant 0 : i32
          %add3A_392 = arith.addi %add3A_262, %add3A_391 : i32
          %add3A_393 = arith.constant 384 : i32
          %add3A_394 = arith.addi %add3A_392, %add3A_393 : i32
          %swap3A_395 = arith.index_cast %add3A_394 : i32 to index
          %swap3A_396 = tpu.vector_load %arg10[%swap3A_395] {strides = array<i32>} : memref<20480xf32, #tpu.memory_space<vmem>>, vector<16xf32>,
          tpu.vector_store %arg10[%swap3A_395], %gather3A_289 {strides = array<i32>} : memref<20480xf32, #tpu.memory_space<vmem>>, vector<16xf32>,
          %add3A_397 = arith.constant 0 : i32
          %add3A_398 = arith.addi %add3A_262, %add3A_397 : i32
          %add3A_399 = arith.constant 512 : i32
          %add3A_400 = arith.addi %add3A_398, %add3A_399 : i32
          %swap3A_401 = arith.index_cast %add3A_400 : i32 to index
          %swap3A_402 = tpu.vector_load %arg10[%swap3A_401] {strides = array<i32>} : memref<20480xf32, #tpu.memory_space<vmem>>, vector<16xf32>,
          tpu.vector_store %arg10[%swap3A_401], %gather3A_296 {strides = array<i32>} : memref<20480xf32, #tpu.memory_space<vmem>>, vector<16xf32>,
          %add3A_403 = arith.constant 0 : i32
          %add3A_404 = arith.addi %add3A_262, %add3A_403 : i32
          %add3A_405 = arith.constant 640 : i32
          %add3A_406 = arith.addi %add3A_404, %add3A_405 : i32
          %swap3A_407 = arith.index_cast %add3A_406 : i32 to index
          %swap3A_408 = tpu.vector_load %arg10[%swap3A_407] {strides = array<i32>} : memref<20480xf32, #tpu.memory_space<vmem>>, vector<16xf32>,
          tpu.vector_store %arg10[%swap3A_407], %gather3A_303 {strides = array<i32>} : memref<20480xf32, #tpu.memory_space<vmem>>, vector<16xf32>,
          %add3A_409 = arith.constant 0 : i32
          %add3A_410 = arith.addi %add3A_262, %add3A_409 : i32
          %add3A_411 = arith.constant 768 : i32
          %add3A_412 = arith.addi %add3A_410, %add3A_411 : i32
          %swap3A_413 = arith.index_cast %add3A_412 : i32 to index
          %swap3A_414 = tpu.vector_load %arg10[%swap3A_413] {strides = array<i32>} : memref<20480xf32, #tpu.memory_space<vmem>>, vector<16xf32>,
          tpu.vector_store %arg10[%swap3A_413], %gather3A_310 {strides = array<i32>} : memref<20480xf32, #tpu.memory_space<vmem>>, vector<16xf32>,
          %add3A_415 = arith.constant 0 : i32
          %add3A_416 = arith.addi %add3A_262, %add3A_415 : i32
          %add3A_417 = arith.constant 896 : i32
          %add3A_418 = arith.addi %add3A_416, %add3A_417 : i32
          %swap3A_419 = arith.index_cast %add3A_418 : i32 to index
          %swap3A_420 = tpu.vector_load %arg10[%swap3A_419] {strides = array<i32>} : memref<20480xf32, #tpu.memory_space<vmem>>, vector<16xf32>,
          tpu.vector_store %arg10[%swap3A_419], %gather3A_317 {strides = array<i32>} : memref<20480xf32, #tpu.memory_space<vmem>>, vector<16xf32>,
          %add3A_421 = arith.constant 5120 : i32
          %add3A_422 = arith.addi %add3A_262, %add3A_421 : i32
          %add3A_423 = arith.constant 0 : i32
          %add3A_424 = arith.addi %add3A_422, %add3A_423 : i32
          %swap3A_425 = arith.index_cast %add3A_424 : i32 to index
          %swap3A_426 = tpu.vector_load %arg10[%swap3A_425] {strides = array<i32>} : memref<20480xf32, #tpu.memory_space<vmem>>, vector<16xf32>,
          tpu.vector_store %arg10[%swap3A_425], %gather3A_324 {strides = array<i32>} : memref<20480xf32, #tpu.memory_space<vmem>>, vector<16xf32>,
          %add3A_427 = arith.constant 5120 : i32
          %add3A_428 = arith.addi %add3A_262, %add3A_427 : i32
          %add3A_429 = arith.constant 128 : i32
          %add3A_430 = arith.addi %add3A_428, %add3A_429 : i32
          %swap3A_431 = arith.index_cast %add3A_430 : i32 to index
          %swap3A_432 = tpu.vector_load %arg10[%swap3A_431] {strides = array<i32>} : memref<20480xf32, #tpu.memory_space<vmem>>, vector<16xf32>,
          tpu.vector_store %arg10[%swap3A_431], %gather3A_331 {strides = array<i32>} : memref<20480xf32, #tpu.memory_space<vmem>>, vector<16xf32>,
          %add3A_433 = arith.constant 5120 : i32
          %add3A_434 = arith.addi %add3A_262, %add3A_433 : i32
          %add3A_435 = arith.constant 256 : i32
          %add3A_436 = arith.addi %add3A_434, %add3A_435 : i32
          %swap3A_437 = arith.index_cast %add3A_436 : i32 to index
          %swap3A_438 = tpu.vector_load %arg10[%swap3A_437] {strides = array<i32>} : memref<20480xf32, #tpu.memory_space<vmem>>, vector<16xf32>,
          tpu.vector_store %arg10[%swap3A_437], %gather3A_338 {strides = array<i32>} : memref<20480xf32, #tpu.memory_space<vmem>>, vector<16xf32>,
          %add3A_439 = arith.constant 5120 : i32
          %add3A_440 = arith.addi %add3A_262, %add3A_439 : i32
          %add3A_441 = arith.constant 384 : i32
          %add3A_442 = arith.addi %add3A_440, %add3A_441 : i32
          %swap3A_443 = arith.index_cast %add3A_442 : i32 to index
          %swap3A_444 = tpu.vector_load %arg10[%swap3A_443] {strides = array<i32>} : memref<20480xf32, #tpu.memory_space<vmem>>, vector<16xf32>,
          tpu.vector_store %arg10[%swap3A_443], %gather3A_345 {strides = array<i32>} : memref<20480xf32, #tpu.memory_space<vmem>>, vector<16xf32>,
          %add3A_445 = arith.constant 5120 : i32
          %add3A_446 = arith.addi %add3A_262, %add3A_445 : i32
          %add3A_447 = arith.constant 512 : i32
          %add3A_448 = arith.addi %add3A_446, %add3A_447 : i32
          %swap3A_449 = arith.index_cast %add3A_448 : i32 to index
          %swap3A_450 = tpu.vector_load %arg10[%swap3A_449] {strides = array<i32>} : memref<20480xf32, #tpu.memory_space<vmem>>, vector<16xf32>,
          tpu.vector_store %arg10[%swap3A_449], %gather3A_352 {strides = array<i32>} : memref<20480xf32, #tpu.memory_space<vmem>>, vector<16xf32>,
          %add3A_451 = arith.constant 5120 : i32
          %add3A_452 = arith.addi %add3A_262, %add3A_451 : i32
          %add3A_453 = arith.constant 640 : i32
          %add3A_454 = arith.addi %add3A_452, %add3A_453 : i32
          %swap3A_455 = arith.index_cast %add3A_454 : i32 to index
          %swap3A_456 = tpu.vector_load %arg10[%swap3A_455] {strides = array<i32>} : memref<20480xf32, #tpu.memory_space<vmem>>, vector<16xf32>,
          tpu.vector_store %arg10[%swap3A_455], %gather3A_359 {strides = array<i32>} : memref<20480xf32, #tpu.memory_space<vmem>>, vector<16xf32>,
          %add3A_457 = arith.constant 5120 : i32
          %add3A_458 = arith.addi %add3A_262, %add3A_457 : i32
          %add3A_459 = arith.constant 768 : i32
          %add3A_460 = arith.addi %add3A_458, %add3A_459 : i32
          %swap3A_461 = arith.index_cast %add3A_460 : i32 to index
          %swap3A_462 = tpu.vector_load %arg10[%swap3A_461] {strides = array<i32>} : memref<20480xf32, #tpu.memory_space<vmem>>, vector<16xf32>,
          tpu.vector_store %arg10[%swap3A_461], %gather3A_366 {strides = array<i32>} : memref<20480xf32, #tpu.memory_space<vmem>>, vector<16xf32>,
          %add3A_463 = arith.constant 5120 : i32
          %add3A_464 = arith.addi %add3A_262, %add3A_463 : i32
          %add3A_465 = arith.constant 896 : i32
          %add3A_466 = arith.addi %add3A_464, %add3A_465 : i32
          %swap3A_467 = arith.index_cast %add3A_466 : i32 to index
          %swap3A_468 = tpu.vector_load %arg10[%swap3A_467] {strides = array<i32>} : memref<20480xf32, #tpu.memory_space<vmem>>, vector<16xf32>,
          tpu.vector_store %arg10[%swap3A_467], %gather3A_373 {strides = array<i32>} : memref<20480xf32, #tpu.memory_space<vmem>>, vector<16xf32>,
          %add3A_469 = arith.constant 16 : i32
          %add3A_470 = vector.broadcast %add3A_469 : i32 to vector<16xi32>
          %add3A_471 = arith.addi %mul3A_218, %add3A_470 : vector<16xi32>
          %add3A_472 = arith.constant 0 : i32
          %add3A_473 = vector.broadcast %add3A_472 : i32 to vector<16xi32>
          %add3A_474 = arith.addi %add3A_471, %add3A_473 : vector<16xi32>
          %gather3A_475 = tpu.vector_load_idx %arg11[%add3A_474] : memref<8712xf32, #tpu.memory_space<vmem>>[vector<16xi32>], vector<16xf32>,
          %add3A_476 = arith.constant 16 : i32
          %add3A_477 = vector.broadcast %add3A_476 : i32 to vector<16xi32>
          %add3A_478 = arith.addi %mul3A_218, %add3A_477 : vector<16xi32>
          %add3A_479 = arith.constant 1 : i32
          %add3A_480 = vector.broadcast %add3A_479 : i32 to vector<16xi32>
          %add3A_481 = arith.addi %add3A_478, %add3A_480 : vector<16xi32>
          %gather3A_482 = tpu.vector_load_idx %arg11[%add3A_481] : memref<8712xf32, #tpu.memory_space<vmem>>[vector<16xi32>], vector<16xf32>,
          %add3A_483 = arith.constant 16 : i32
          %add3A_484 = vector.broadcast %add3A_483 : i32 to vector<16xi32>
          %add3A_485 = arith.addi %mul3A_218, %add3A_484 : vector<16xi32>
          %add3A_486 = arith.constant 2 : i32
          %add3A_487 = vector.broadcast %add3A_486 : i32 to vector<16xi32>
          %add3A_488 = arith.addi %add3A_485, %add3A_487 : vector<16xi32>
          %gather3A_489 = tpu.vector_load_idx %arg11[%add3A_488] : memref<8712xf32, #tpu.memory_space<vmem>>[vector<16xi32>], vector<16xf32>,
          %add3A_490 = arith.constant 16 : i32
          %add3A_491 = vector.broadcast %add3A_490 : i32 to vector<16xi32>
          %add3A_492 = arith.addi %mul3A_218, %add3A_491 : vector<16xi32>
          %add3A_493 = arith.constant 3 : i32
          %add3A_494 = vector.broadcast %add3A_493 : i32 to vector<16xi32>
          %add3A_495 = arith.addi %add3A_492, %add3A_494 : vector<16xi32>
          %gather3A_496 = tpu.vector_load_idx %arg11[%add3A_495] : memref<8712xf32, #tpu.memory_space<vmem>>[vector<16xi32>], vector<16xf32>,
          %add3A_497 = arith.constant 16 : i32
          %add3A_498 = vector.broadcast %add3A_497 : i32 to vector<16xi32>
          %add3A_499 = arith.addi %mul3A_218, %add3A_498 : vector<16xi32>
          %add3A_500 = arith.constant 4 : i32
          %add3A_501 = vector.broadcast %add3A_500 : i32 to vector<16xi32>
          %add3A_502 = arith.addi %add3A_499, %add3A_501 : vector<16xi32>
          %gather3A_503 = tpu.vector_load_idx %arg11[%add3A_502] : memref<8712xf32, #tpu.memory_space<vmem>>[vector<16xi32>], vector<16xf32>,
          %add3A_504 = arith.constant 16 : i32
          %add3A_505 = vector.broadcast %add3A_504 : i32 to vector<16xi32>
          %add3A_506 = arith.addi %mul3A_218, %add3A_505 : vector<16xi32>
          %add3A_507 = arith.constant 5 : i32
          %add3A_508 = vector.broadcast %add3A_507 : i32 to vector<16xi32>
          %add3A_509 = arith.addi %add3A_506, %add3A_508 : vector<16xi32>
          %gather3A_510 = tpu.vector_load_idx %arg11[%add3A_509] : memref<8712xf32, #tpu.memory_space<vmem>>[vector<16xi32>], vector<16xf32>,
          %add3A_511 = arith.constant 16 : i32
          %add3A_512 = vector.broadcast %add3A_511 : i32 to vector<16xi32>
          %add3A_513 = arith.addi %mul3A_218, %add3A_512 : vector<16xi32>
          %add3A_514 = arith.constant 6 : i32
          %add3A_515 = vector.broadcast %add3A_514 : i32 to vector<16xi32>
          %add3A_516 = arith.addi %add3A_513, %add3A_515 : vector<16xi32>
          %gather3A_517 = tpu.vector_load_idx %arg11[%add3A_516] : memref<8712xf32, #tpu.memory_space<vmem>>[vector<16xi32>], vector<16xf32>,
          %add3A_518 = arith.constant 16 : i32
          %add3A_519 = vector.broadcast %add3A_518 : i32 to vector<16xi32>
          %add3A_520 = arith.addi %mul3A_218, %add3A_519 : vector<16xi32>
          %add3A_521 = arith.constant 7 : i32
          %add3A_522 = vector.broadcast %add3A_521 : i32 to vector<16xi32>
          %add3A_523 = arith.addi %add3A_520, %add3A_522 : vector<16xi32>
          %gather3A_524 = tpu.vector_load_idx %arg11[%add3A_523] : memref<8712xf32, #tpu.memory_space<vmem>>[vector<16xi32>], vector<16xf32>,
          %add3A_525 = arith.constant 16 : i32
          %add3A_526 = vector.broadcast %add3A_525 : i32 to vector<16xi32>
          %add3A_527 = arith.addi %mul3A_218, %add3A_526 : vector<16xi32>
          %add3A_528 = arith.constant 8 : i32
          %add3A_529 = vector.broadcast %add3A_528 : i32 to vector<16xi32>
          %add3A_530 = arith.addi %add3A_527, %add3A_529 : vector<16xi32>
          %gather3A_531 = tpu.vector_load_idx %arg11[%add3A_530] : memref<8712xf32, #tpu.memory_space<vmem>>[vector<16xi32>], vector<16xf32>,
          %add3A_532 = arith.constant 16 : i32
          %add3A_533 = vector.broadcast %add3A_532 : i32 to vector<16xi32>
          %add3A_534 = arith.addi %mul3A_218, %add3A_533 : vector<16xi32>
          %add3A_535 = arith.constant 9 : i32
          %add3A_536 = vector.broadcast %add3A_535 : i32 to vector<16xi32>
          %add3A_537 = arith.addi %add3A_534, %add3A_536 : vector<16xi32>
          %gather3A_538 = tpu.vector_load_idx %arg11[%add3A_537] : memref<8712xf32, #tpu.memory_space<vmem>>[vector<16xi32>], vector<16xf32>,
          %add3A_539 = arith.constant 16 : i32
          %add3A_540 = vector.broadcast %add3A_539 : i32 to vector<16xi32>
          %add3A_541 = arith.addi %mul3A_218, %add3A_540 : vector<16xi32>
          %add3A_542 = arith.constant 10 : i32
          %add3A_543 = vector.broadcast %add3A_542 : i32 to vector<16xi32>
          %add3A_544 = arith.addi %add3A_541, %add3A_543 : vector<16xi32>
          %gather3A_545 = tpu.vector_load_idx %arg11[%add3A_544] : memref<8712xf32, #tpu.memory_space<vmem>>[vector<16xi32>], vector<16xf32>,
          %add3A_546 = arith.constant 16 : i32
          %add3A_547 = vector.broadcast %add3A_546 : i32 to vector<16xi32>
          %add3A_548 = arith.addi %mul3A_218, %add3A_547 : vector<16xi32>
          %add3A_549 = arith.constant 11 : i32
          %add3A_550 = vector.broadcast %add3A_549 : i32 to vector<16xi32>
          %add3A_551 = arith.addi %add3A_548, %add3A_550 : vector<16xi32>
          %gather3A_552 = tpu.vector_load_idx %arg11[%add3A_551] : memref<8712xf32, #tpu.memory_space<vmem>>[vector<16xi32>], vector<16xf32>,
          %add3A_553 = arith.constant 16 : i32
          %add3A_554 = vector.broadcast %add3A_553 : i32 to vector<16xi32>
          %add3A_555 = arith.addi %mul3A_218, %add3A_554 : vector<16xi32>
          %add3A_556 = arith.constant 12 : i32
          %add3A_557 = vector.broadcast %add3A_556 : i32 to vector<16xi32>
          %add3A_558 = arith.addi %add3A_555, %add3A_557 : vector<16xi32>
          %gather3A_559 = tpu.vector_load_idx %arg11[%add3A_558] : memref<8712xf32, #tpu.memory_space<vmem>>[vector<16xi32>], vector<16xf32>,
          %add3A_560 = arith.constant 16 : i32
          %add3A_561 = vector.broadcast %add3A_560 : i32 to vector<16xi32>
          %add3A_562 = arith.addi %mul3A_218, %add3A_561 : vector<16xi32>
          %add3A_563 = arith.constant 13 : i32
          %add3A_564 = vector.broadcast %add3A_563 : i32 to vector<16xi32>
          %add3A_565 = arith.addi %add3A_562, %add3A_564 : vector<16xi32>
          %gather3A_566 = tpu.vector_load_idx %arg11[%add3A_565] : memref<8712xf32, #tpu.memory_space<vmem>>[vector<16xi32>], vector<16xf32>,
          %add3A_567 = arith.constant 16 : i32
          %add3A_568 = vector.broadcast %add3A_567 : i32 to vector<16xi32>
          %add3A_569 = arith.addi %mul3A_218, %add3A_568 : vector<16xi32>
          %add3A_570 = arith.constant 14 : i32
          %add3A_571 = vector.broadcast %add3A_570 : i32 to vector<16xi32>
          %add3A_572 = arith.addi %add3A_569, %add3A_571 : vector<16xi32>
          %gather3A_573 = tpu.vector_load_idx %arg11[%add3A_572] : memref<8712xf32, #tpu.memory_space<vmem>>[vector<16xi32>], vector<16xf32>,
          %add3A_574 = arith.constant 16 : i32
          %add3A_575 = vector.broadcast %add3A_574 : i32 to vector<16xi32>
          %add3A_576 = arith.addi %mul3A_218, %add3A_575 : vector<16xi32>
          %add3A_577 = arith.constant 15 : i32
          %add3A_578 = vector.broadcast %add3A_577 : i32 to vector<16xi32>
          %add3A_579 = arith.addi %add3A_576, %add3A_578 : vector<16xi32>
          %gather3A_580 = tpu.vector_load_idx %arg11[%add3A_579] : memref<8712xf32, #tpu.memory_space<vmem>>[vector<16xi32>], vector<16xf32>,
          %add3A_581 = arith.constant 10240 : i32
          %add3A_582 = arith.addi %add3A_262, %add3A_581 : i32
          %add3A_583 = arith.constant 0 : i32
          %add3A_584 = arith.addi %add3A_582, %add3A_583 : i32
          %swap3A_585 = arith.index_cast %add3A_584 : i32 to index
          %swap3A_586 = tpu.vector_load %arg10[%swap3A_585] {strides = array<i32>} : memref<20480xf32, #tpu.memory_space<vmem>>, vector<16xf32>,
          tpu.vector_store %arg10[%swap3A_585], %gather3A_475 {strides = array<i32>} : memref<20480xf32, #tpu.memory_space<vmem>>, vector<16xf32>,
          %add3A_587 = arith.constant 10240 : i32
          %add3A_588 = arith.addi %add3A_262, %add3A_587 : i32
          %add3A_589 = arith.constant 128 : i32
          %add3A_590 = arith.addi %add3A_588, %add3A_589 : i32
          %swap3A_591 = arith.index_cast %add3A_590 : i32 to index
          %swap3A_592 = tpu.vector_load %arg10[%swap3A_591] {strides = array<i32>} : memref<20480xf32, #tpu.memory_space<vmem>>, vector<16xf32>,
          tpu.vector_store %arg10[%swap3A_591], %gather3A_482 {strides = array<i32>} : memref<20480xf32, #tpu.memory_space<vmem>>, vector<16xf32>,
          %add3A_593 = arith.constant 10240 : i32
          %add3A_594 = arith.addi %add3A_262, %add3A_593 : i32
          %add3A_595 = arith.constant 256 : i32
          %add3A_596 = arith.addi %add3A_594, %add3A_595 : i32
          %swap3A_597 = arith.index_cast %add3A_596 : i32 to index
          %swap3A_598 = tpu.vector_load %arg10[%swap3A_597] {strides = array<i32>} : memref<20480xf32, #tpu.memory_space<vmem>>, vector<16xf32>,
          tpu.vector_store %arg10[%swap3A_597], %gather3A_489 {strides = array<i32>} : memref<20480xf32, #tpu.memory_space<vmem>>, vector<16xf32>,
          %add3A_599 = arith.constant 10240 : i32
          %add3A_600 = arith.addi %add3A_262, %add3A_599 : i32
          %add3A_601 = arith.constant 384 : i32
          %add3A_602 = arith.addi %add3A_600, %add3A_601 : i32
          %swap3A_603 = arith.index_cast %add3A_602 : i32 to index
          %swap3A_604 = tpu.vector_load %arg10[%swap3A_603] {strides = array<i32>} : memref<20480xf32, #tpu.memory_space<vmem>>, vector<16xf32>,
          tpu.vector_store %arg10[%swap3A_603], %gather3A_496 {strides = array<i32>} : memref<20480xf32, #tpu.memory_space<vmem>>, vector<16xf32>,
          %add3A_605 = arith.constant 10240 : i32
          %add3A_606 = arith.addi %add3A_262, %add3A_605 : i32
          %add3A_607 = arith.constant 512 : i32
          %add3A_608 = arith.addi %add3A_606, %add3A_607 : i32
          %swap3A_609 = arith.index_cast %add3A_608 : i32 to index
          %swap3A_610 = tpu.vector_load %arg10[%swap3A_609] {strides = array<i32>} : memref<20480xf32, #tpu.memory_space<vmem>>, vector<16xf32>,
          tpu.vector_store %arg10[%swap3A_609], %gather3A_503 {strides = array<i32>} : memref<20480xf32, #tpu.memory_space<vmem>>, vector<16xf32>,
          %add3A_611 = arith.constant 10240 : i32
          %add3A_612 = arith.addi %add3A_262, %add3A_611 : i32
          %add3A_613 = arith.constant 640 : i32
          %add3A_614 = arith.addi %add3A_612, %add3A_613 : i32
          %swap3A_615 = arith.index_cast %add3A_614 : i32 to index
          %swap3A_616 = tpu.vector_load %arg10[%swap3A_615] {strides = array<i32>} : memref<20480xf32, #tpu.memory_space<vmem>>, vector<16xf32>,
          tpu.vector_store %arg10[%swap3A_615], %gather3A_510 {strides = array<i32>} : memref<20480xf32, #tpu.memory_space<vmem>>, vector<16xf32>,
          %add3A_617 = arith.constant 10240 : i32
          %add3A_618 = arith.addi %add3A_262, %add3A_617 : i32
          %add3A_619 = arith.constant 768 : i32
          %add3A_620 = arith.addi %add3A_618, %add3A_619 : i32
          %swap3A_621 = arith.index_cast %add3A_620 : i32 to index
          %swap3A_622 = tpu.vector_load %arg10[%swap3A_621] {strides = array<i32>} : memref<20480xf32, #tpu.memory_space<vmem>>, vector<16xf32>,
          tpu.vector_store %arg10[%swap3A_621], %gather3A_517 {strides = array<i32>} : memref<20480xf32, #tpu.memory_space<vmem>>, vector<16xf32>,
          %add3A_623 = arith.constant 10240 : i32
          %add3A_624 = arith.addi %add3A_262, %add3A_623 : i32
          %add3A_625 = arith.constant 896 : i32
          %add3A_626 = arith.addi %add3A_624, %add3A_625 : i32
          %swap3A_627 = arith.index_cast %add3A_626 : i32 to index
          %swap3A_628 = tpu.vector_load %arg10[%swap3A_627] {strides = array<i32>} : memref<20480xf32, #tpu.memory_space<vmem>>, vector<16xf32>,
          tpu.vector_store %arg10[%swap3A_627], %gather3A_524 {strides = array<i32>} : memref<20480xf32, #tpu.memory_space<vmem>>, vector<16xf32>,
          %add3A_629 = arith.constant 15360 : i32
          %add3A_630 = arith.addi %add3A_262, %add3A_629 : i32
          %add3A_631 = arith.constant 0 : i32
          %add3A_632 = arith.addi %add3A_630, %add3A_631 : i32
          %swap3A_633 = arith.index_cast %add3A_632 : i32 to index
          %swap3A_634 = tpu.vector_load %arg10[%swap3A_633] {strides = array<i32>} : memref<20480xf32, #tpu.memory_space<vmem>>, vector<16xf32>,
          tpu.vector_store %arg10[%swap3A_633], %gather3A_531 {strides = array<i32>} : memref<20480xf32, #tpu.memory_space<vmem>>, vector<16xf32>,
          %add3A_635 = arith.constant 15360 : i32
          %add3A_636 = arith.addi %add3A_262, %add3A_635 : i32
          %add3A_637 = arith.constant 128 : i32
          %add3A_638 = arith.addi %add3A_636, %add3A_637 : i32
          %swap3A_639 = arith.index_cast %add3A_638 : i32 to index
          %swap3A_640 = tpu.vector_load %arg10[%swap3A_639] {strides = array<i32>} : memref<20480xf32, #tpu.memory_space<vmem>>, vector<16xf32>,
          tpu.vector_store %arg10[%swap3A_639], %gather3A_538 {strides = array<i32>} : memref<20480xf32, #tpu.memory_space<vmem>>, vector<16xf32>,
          %add3A_641 = arith.constant 15360 : i32
          %add3A_642 = arith.addi %add3A_262, %add3A_641 : i32
          %add3A_643 = arith.constant 256 : i32
          %add3A_644 = arith.addi %add3A_642, %add3A_643 : i32
          %swap3A_645 = arith.index_cast %add3A_644 : i32 to index
          %swap3A_646 = tpu.vector_load %arg10[%swap3A_645] {strides = array<i32>} : memref<20480xf32, #tpu.memory_space<vmem>>, vector<16xf32>,
          tpu.vector_store %arg10[%swap3A_645], %gather3A_545 {strides = array<i32>} : memref<20480xf32, #tpu.memory_space<vmem>>, vector<16xf32>,
          %add3A_647 = arith.constant 15360 : i32
          %add3A_648 = arith.addi %add3A_262, %add3A_647 : i32
          %add3A_649 = arith.constant 384 : i32
          %add3A_650 = arith.addi %add3A_648, %add3A_649 : i32
          %swap3A_651 = arith.index_cast %add3A_650 : i32 to index
          %swap3A_652 = tpu.vector_load %arg10[%swap3A_651] {strides = array<i32>} : memref<20480xf32, #tpu.memory_space<vmem>>, vector<16xf32>,
          tpu.vector_store %arg10[%swap3A_651], %gather3A_552 {strides = array<i32>} : memref<20480xf32, #tpu.memory_space<vmem>>, vector<16xf32>,
          %add3A_653 = arith.constant 15360 : i32
          %add3A_654 = arith.addi %add3A_262, %add3A_653 : i32
          %add3A_655 = arith.constant 512 : i32
          %add3A_656 = arith.addi %add3A_654, %add3A_655 : i32
          %swap3A_657 = arith.index_cast %add3A_656 : i32 to index
          %swap3A_658 = tpu.vector_load %arg10[%swap3A_657] {strides = array<i32>} : memref<20480xf32, #tpu.memory_space<vmem>>, vector<16xf32>,
          tpu.vector_store %arg10[%swap3A_657], %gather3A_559 {strides = array<i32>} : memref<20480xf32, #tpu.memory_space<vmem>>, vector<16xf32>,
          %add3A_659 = arith.constant 15360 : i32
          %add3A_660 = arith.addi %add3A_262, %add3A_659 : i32
          %add3A_661 = arith.constant 640 : i32
          %add3A_662 = arith.addi %add3A_660, %add3A_661 : i32
          %swap3A_663 = arith.index_cast %add3A_662 : i32 to index
          %swap3A_664 = tpu.vector_load %arg10[%swap3A_663] {strides = array<i32>} : memref<20480xf32, #tpu.memory_space<vmem>>, vector<16xf32>,
          tpu.vector_store %arg10[%swap3A_663], %gather3A_566 {strides = array<i32>} : memref<20480xf32, #tpu.memory_space<vmem>>, vector<16xf32>,
          %add3A_665 = arith.constant 15360 : i32
          %add3A_666 = arith.addi %add3A_262, %add3A_665 : i32
          %add3A_667 = arith.constant 768 : i32
          %add3A_668 = arith.addi %add3A_666, %add3A_667 : i32
          %swap3A_669 = arith.index_cast %add3A_668 : i32 to index
          %swap3A_670 = tpu.vector_load %arg10[%swap3A_669] {strides = array<i32>} : memref<20480xf32, #tpu.memory_space<vmem>>, vector<16xf32>,
          tpu.vector_store %arg10[%swap3A_669], %gather3A_573 {strides = array<i32>} : memref<20480xf32, #tpu.memory_space<vmem>>, vector<16xf32>,
          %add3A_671 = arith.constant 15360 : i32
          %add3A_672 = arith.addi %add3A_262, %add3A_671 : i32
          %add3A_673 = arith.constant 896 : i32
          %add3A_674 = arith.addi %add3A_672, %add3A_673 : i32
          %swap3A_675 = arith.index_cast %add3A_674 : i32 to index
          %swap3A_676 = tpu.vector_load %arg10[%swap3A_675] {strides = array<i32>} : memref<20480xf32, #tpu.memory_space<vmem>>, vector<16xf32>,
          tpu.vector_store %arg10[%swap3A_675], %gather3A_580 {strides = array<i32>} : memref<20480xf32, #tpu.memory_space<vmem>>, vector<16xf32>,
        }
        %scan3A_135 = arith.constant 40 : i32
        %mul3A_136 = arith.constant 32 : i32
        %mul3A_137 = arith.muli %add3A_117, %mul3A_136 : i32
        %add3A_138 = arith.addi %add3A, %mul3A_137 : i32
        %mul3A_139 = arith.constant 5 : i32
        %mul3A_140 = arith.muli %add3A_138, %mul3A_139 : i32
        %add3A_141 = arith.constant 0 : i32
        %add3A_142 = arith.addi %add3A_141, %mul3A_140 : i32
        %mul3A_143 = arith.constant 1024 : i32
        %mul3A_144 = arith.muli %add3A_142, %mul3A_143 : i32
        %dma_start3A_145 = arith.constant 0 : i32
        %dma_start3A_146 = tpu.memref_slice %arg10[%dma_start3A_145] : memref<20480xf32, #tpu.memory_space<vmem>> -> memref<5120xf32, #tpu.memory_space<vmem>>
        %dma_start3A_147 = tpu.memref_slice %arg6[%mul3A_144] : memref<51200000xf32, #tpu.memory_space<hbm>> -> memref<5120xf32, #tpu.memory_space<hbm>>
        %dma_start3A_148 = tpu.memref_slice %arg6[%mul3A_144] : memref<51200000xf32, #tpu.memory_space<hbm>> -> memref<5120xf32, #tpu.memory_space<hbm>>
        %dma_start3A_149 = arith.constant 0 : i32
        %dma_start3A_150 = tpu.memref_slice %arg10[%dma_start3A_149] : memref<20480xf32, #tpu.memory_space<vmem>> -> memref<5120xf32, #tpu.memory_space<vmem>>
        tpu.enqueue_dma source(%dma_start3A_150 : memref<5120xf32, #tpu.memory_space<vmem>>) target(%dma_start3A_148 : memref<5120xf32, #tpu.memory_space<hbm>>) target_semaphore(%arg18 : memref<!tpu.dma_semaphore, #tpu.memory_space<semaphore_mem>>)
        %mul3A_151 = arith.constant 5 : i32
        %mul3A_152 = arith.muli %add3A_138, %mul3A_151 : i32
        %add3A_153 = arith.constant 12500 : i32
        %add3A_154 = arith.addi %add3A_153, %mul3A_152 : i32
        %mul3A_155 = arith.constant 1024 : i32
        %mul3A_156 = arith.muli %add3A_154, %mul3A_155 : i32
        %dma_start3A_157 = arith.constant 5120 : i32
        %dma_start3A_158 = tpu.memref_slice %arg10[%dma_start3A_157] : memref<20480xf32, #tpu.memory_space<vmem>> -> memref<5120xf32, #tpu.memory_space<vmem>>
        %dma_start3A_159 = tpu.memref_slice %arg6[%mul3A_156] : memref<51200000xf32, #tpu.memory_space<hbm>> -> memref<5120xf32, #tpu.memory_space<hbm>>
        %dma_start3A_160 = tpu.memref_slice %arg6[%mul3A_156] : memref<51200000xf32, #tpu.memory_space<hbm>> -> memref<5120xf32, #tpu.memory_space<hbm>>
        %dma_start3A_161 = arith.constant 5120 : i32
        %dma_start3A_162 = tpu.memref_slice %arg10[%dma_start3A_161] : memref<20480xf32, #tpu.memory_space<vmem>> -> memref<5120xf32, #tpu.memory_space<vmem>>
        tpu.enqueue_dma source(%dma_start3A_162 : memref<5120xf32, #tpu.memory_space<vmem>>) target(%dma_start3A_160 : memref<5120xf32, #tpu.memory_space<hbm>>) target_semaphore(%arg18 : memref<!tpu.dma_semaphore, #tpu.memory_space<semaphore_mem>>)
        %mul3A_163 = arith.constant 5 : i32
        %mul3A_164 = arith.muli %add3A_138, %mul3A_163 : i32
        %add3A_165 = arith.constant 25000 : i32
        %add3A_166 = arith.addi %add3A_165, %mul3A_164 : i32
        %mul3A_167 = arith.constant 1024 : i32
        %mul3A_168 = arith.muli %add3A_166, %mul3A_167 : i32
        %dma_start3A_169 = arith.constant 10240 : i32
        %dma_start3A_170 = tpu.memref_slice %arg10[%dma_start3A_169] : memref<20480xf32, #tpu.memory_space<vmem>> -> memref<5120xf32, #tpu.memory_space<vmem>>
        %dma_start3A_171 = tpu.memref_slice %arg6[%mul3A_168] : memref<51200000xf32, #tpu.memory_space<hbm>> -> memref<5120xf32, #tpu.memory_space<hbm>>
        %dma_start3A_172 = tpu.memref_slice %arg6[%mul3A_168] : memref<51200000xf32, #tpu.memory_space<hbm>> -> memref<5120xf32, #tpu.memory_space<hbm>>
        %dma_start3A_173 = arith.constant 10240 : i32
        %dma_start3A_174 = tpu.memref_slice %arg10[%dma_start3A_173] : memref<20480xf32, #tpu.memory_space<vmem>> -> memref<5120xf32, #tpu.memory_space<vmem>>
        tpu.enqueue_dma source(%dma_start3A_174 : memref<5120xf32, #tpu.memory_space<vmem>>) target(%dma_start3A_172 : memref<5120xf32, #tpu.memory_space<hbm>>) target_semaphore(%arg18 : memref<!tpu.dma_semaphore, #tpu.memory_space<semaphore_mem>>)
        %mul3A_175 = arith.constant 5 : i32
        %mul3A_176 = arith.muli %add3A_138, %mul3A_175 : i32
        %add3A_177 = arith.constant 37500 : i32
        %add3A_178 = arith.addi %add3A_177, %mul3A_176 : i32
        %mul3A_179 = arith.constant 1024 : i32
        %mul3A_180 = arith.muli %add3A_178, %mul3A_179 : i32
        %dma_start3A_181 = arith.constant 15360 : i32
        %dma_start3A_182 = tpu.memref_slice %arg10[%dma_start3A_181] : memref<20480xf32, #tpu.memory_space<vmem>> -> memref<5120xf32, #tpu.memory_space<vmem>>
        %dma_start3A_183 = tpu.memref_slice %arg6[%mul3A_180] : memref<51200000xf32, #tpu.memory_space<hbm>> -> memref<5120xf32, #tpu.memory_space<hbm>>
        %dma_start3A_184 = tpu.memref_slice %arg6[%mul3A_180] : memref<51200000xf32, #tpu.memory_space<hbm>> -> memref<5120xf32, #tpu.memory_space<hbm>>
        %dma_start3A_185 = arith.constant 15360 : i32
        %dma_start3A_186 = tpu.memref_slice %arg10[%dma_start3A_185] : memref<20480xf32, #tpu.memory_space<vmem>> -> memref<5120xf32, #tpu.memory_space<vmem>>
        tpu.enqueue_dma source(%dma_start3A_186 : memref<5120xf32, #tpu.memory_space<vmem>>) target(%dma_start3A_184 : memref<5120xf32, #tpu.memory_space<hbm>>) target_semaphore(%arg18 : memref<!tpu.dma_semaphore, #tpu.memory_space<semaphore_mem>>)
        %add3A_187 = arith.constant 2 : i32
        %add3A_188 = arith.addi %add3A_117, %add3A_187 : i32
        %lt3A_189 = arith.cmpi slt, %add3A_188, %select_n3A : i32
        %convert_element_type3A_190 = arith.extui %lt3A_189 : i1 to i32
        %cond3A_191 = arith.constant 0 : i32
        %cond3A_192 = arith.cmpi ne, %convert_element_type3A_190, %cond3A_191 : i32
        scf.if %cond3A_192 {
          %add3A_193 = arith.constant 2 : i32
          %add3A_194 = arith.addi %add3A_117, %add3A_193 : i32
          %mul3A_195 = arith.constant 32 : i32
          %mul3A_196 = arith.muli %add3A_194, %mul3A_195 : i32
          %add3A_197 = arith.addi %add3A, %mul3A_196 : i32
          %mul3A_198 = arith.constant 640 : i32
          %mul3A_199 = arith.muli %add3A_197, %mul3A_198 : i32
          %dma_start3A_200 = tpu.memref_slice %arg2[%mul3A_199] : memref<1600000xi32, #tpu.memory_space<hbm>> -> memref<640xi32, #tpu.memory_space<hbm>>
          %dma_start3A_201 = tpu.memref_slice %arg2[%mul3A_199] : memref<1600000xi32, #tpu.memory_space<hbm>> -> memref<640xi32, #tpu.memory_space<hbm>>
          tpu.enqueue_dma source(%dma_start3A_201 : memref<640xi32, #tpu.memory_space<hbm>>) target(%arg8 : memref<640xi32, #tpu.memory_space<vmem>>) target_semaphore(%arg16 : memref<!tpu.dma_semaphore, #tpu.memory_space<semaphore_mem>>)
        } else {
        }
      } else {
      }
    }
    %scan3A_44 = arith.constant 40 : i32
    %dma_wait3A = arith.constant 0 : i32
    %dma_wait3A_45 = tpu.memref_slice %arg9[%dma_wait3A] : memref<20480xf32, #tpu.memory_space<vmem>> -> memref<5120xf32, #tpu.memory_space<vmem>>
    %dma_wait3A_46 = arith.constant 0 : i32
    %dma_wait3A_47 = tpu.memref_slice %arg6[%dma_wait3A_46] : memref<51200000xf32, #tpu.memory_space<hbm>> -> memref<5120xf32, #tpu.memory_space<hbm>>
    %dma_wait3A_48 = arith.constant 0 : i32
    %dma_wait3A_49 = tpu.memref_slice %arg6[%dma_wait3A_48] : memref<51200000xf32, #tpu.memory_space<hbm>> -> memref<5120xf32, #tpu.memory_space<hbm>>
    %dma_wait3A_50 = arith.constant 0 : i32
    %dma_wait3A_51 = tpu.memref_slice %arg9[%dma_wait3A_50] : memref<20480xf32, #tpu.memory_space<vmem>> -> memref<5120xf32, #tpu.memory_space<vmem>>
    tpu.wait_dma2 semaphore(%arg17 : memref<!tpu.dma_semaphore, #tpu.memory_space<semaphore_mem>>) src(%dma_wait3A_51 : memref<5120xf32, #tpu.memory_space<vmem>>) dst(%dma_wait3A_49 : memref<5120xf32, #tpu.memory_space<hbm>>)
    %dma_wait3A_52 = arith.constant 5120 : i32
    %dma_wait3A_53 = tpu.memref_slice %arg9[%dma_wait3A_52] : memref<20480xf32, #tpu.memory_space<vmem>> -> memref<5120xf32, #tpu.memory_space<vmem>>
    %dma_wait3A_54 = arith.constant 5120 : i32
    %dma_wait3A_55 = tpu.memref_slice %arg6[%dma_wait3A_54] : memref<51200000xf32, #tpu.memory_space<hbm>> -> memref<5120xf32, #tpu.memory_space<hbm>>
    %dma_wait3A_56 = arith.constant 5120 : i32
    %dma_wait3A_57 = tpu.memref_slice %arg6[%dma_wait3A_56] : memref<51200000xf32, #tpu.memory_space<hbm>> -> memref<5120xf32, #tpu.memory_space<hbm>>
    %dma_wait3A_58 = arith.constant 5120 : i32
    %dma_wait3A_59 = tpu.memref_slice %arg9[%dma_wait3A_58] : memref<20480xf32, #tpu.memory_space<vmem>> -> memref<5120xf32, #tpu.memory_space<vmem>>
    tpu.wait_dma2 semaphore(%arg17 : memref<!tpu.dma_semaphore, #tpu.memory_space<semaphore_mem>>) src(%dma_wait3A_59 : memref<5120xf32, #tpu.memory_space<vmem>>) dst(%dma_wait3A_57 : memref<5120xf32, #tpu.memory_space<hbm>>)
    %dma_wait3A_60 = arith.constant 10240 : i32
    %dma_wait3A_61 = tpu.memref_slice %arg9[%dma_wait3A_60] : memref<20480xf32, #tpu.memory_space<vmem>> -> memref<5120xf32, #tpu.memory_space<vmem>>
    %dma_wait3A_62 = arith.constant 10240 : i32
    %dma_wait3A_63 = tpu.memref_slice %arg6[%dma_wait3A_62] : memref<51200000xf32, #tpu.memory_space<hbm>> -> memref<5120xf32, #tpu.memory_space<hbm>>
    %dma_wait3A_64 = arith.constant 10240 : i32
    %dma_wait3A_65 = tpu.memref_slice %arg6[%dma_wait3A_64] : memref<51200000xf32, #tpu.memory_space<hbm>> -> memref<5120xf32, #tpu.memory_space<hbm>>
    %dma_wait3A_66 = arith.constant 10240 : i32
    %dma_wait3A_67 = tpu.memref_slice %arg9[%dma_wait3A_66] : memref<20480xf32, #tpu.memory_space<vmem>> -> memref<5120xf32, #tpu.memory_space<vmem>>
    tpu.wait_dma2 semaphore(%arg17 : memref<!tpu.dma_semaphore, #tpu.memory_space<semaphore_mem>>) src(%dma_wait3A_67 : memref<5120xf32, #tpu.memory_space<vmem>>) dst(%dma_wait3A_65 : memref<5120xf32, #tpu.memory_space<hbm>>)
    %dma_wait3A_68 = arith.constant 15360 : i32
    %dma_wait3A_69 = tpu.memref_slice %arg9[%dma_wait3A_68] : memref<20480xf32, #tpu.memory_space<vmem>> -> memref<5120xf32, #tpu.memory_space<vmem>>
    %dma_wait3A_70 = arith.constant 15360 : i32
    %dma_wait3A_71 = tpu.memref_slice %arg6[%dma_wait3A_70] : memref<51200000xf32, #tpu.memory_space<hbm>> -> memref<5120xf32, #tpu.memory_space<hbm>>
    %dma_wait3A_72 = arith.constant 15360 : i32
    %dma_wait3A_73 = tpu.memref_slice %arg6[%dma_wait3A_72] : memref<51200000xf32, #tpu.memory_space<hbm>> -> memref<5120xf32, #tpu.memory_space<hbm>>
    %dma_wait3A_74 = arith.constant 15360 : i32
    %dma_wait3A_75 = tpu.memref_slice %arg9[%dma_wait3A_74] : memref<20480xf32, #tpu.memory_space<vmem>> -> memref<5120xf32, #tpu.memory_space<vmem>>
    tpu.wait_dma2 semaphore(%arg17 : memref<!tpu.dma_semaphore, #tpu.memory_space<semaphore_mem>>) src(%dma_wait3A_75 : memref<5120xf32, #tpu.memory_space<vmem>>) dst(%dma_wait3A_73 : memref<5120xf32, #tpu.memory_space<hbm>>)
    %dma_wait3A_76 = arith.constant 0 : i32
    %dma_wait3A_77 = tpu.memref_slice %arg10[%dma_wait3A_76] : memref<20480xf32, #tpu.memory_space<vmem>> -> memref<5120xf32, #tpu.memory_space<vmem>>
    %dma_wait3A_78 = arith.constant 0 : i32
    %dma_wait3A_79 = tpu.memref_slice %arg6[%dma_wait3A_78] : memref<51200000xf32, #tpu.memory_space<hbm>> -> memref<5120xf32, #tpu.memory_space<hbm>>
    %dma_wait3A_80 = arith.constant 0 : i32
    %dma_wait3A_81 = tpu.memref_slice %arg6[%dma_wait3A_80] : memref<51200000xf32, #tpu.memory_space<hbm>> -> memref<5120xf32, #tpu.memory_space<hbm>>
    %dma_wait3A_82 = arith.constant 0 : i32
    %dma_wait3A_83 = tpu.memref_slice %arg10[%dma_wait3A_82] : memref<20480xf32, #tpu.memory_space<vmem>> -> memref<5120xf32, #tpu.memory_space<vmem>>
    tpu.wait_dma2 semaphore(%arg18 : memref<!tpu.dma_semaphore, #tpu.memory_space<semaphore_mem>>) src(%dma_wait3A_83 : memref<5120xf32, #tpu.memory_space<vmem>>) dst(%dma_wait3A_81 : memref<5120xf32, #tpu.memory_space<hbm>>)
    %dma_wait3A_84 = arith.constant 5120 : i32
    %dma_wait3A_85 = tpu.memref_slice %arg10[%dma_wait3A_84] : memref<20480xf32, #tpu.memory_space<vmem>> -> memref<5120xf32, #tpu.memory_space<vmem>>
    %dma_wait3A_86 = arith.constant 5120 : i32
    %dma_wait3A_87 = tpu.memref_slice %arg6[%dma_wait3A_86] : memref<51200000xf32, #tpu.memory_space<hbm>> -> memref<5120xf32, #tpu.memory_space<hbm>>
    %dma_wait3A_88 = arith.constant 5120 : i32
    %dma_wait3A_89 = tpu.memref_slice %arg6[%dma_wait3A_88] : memref<51200000xf32, #tpu.memory_space<hbm>> -> memref<5120xf32, #tpu.memory_space<hbm>>
    %dma_wait3A_90 = arith.constant 5120 : i32
    %dma_wait3A_91 = tpu.memref_slice %arg10[%dma_wait3A_90] : memref<20480xf32, #tpu.memory_space<vmem>> -> memref<5120xf32, #tpu.memory_space<vmem>>
    tpu.wait_dma2 semaphore(%arg18 : memref<!tpu.dma_semaphore, #tpu.memory_space<semaphore_mem>>) src(%dma_wait3A_91 : memref<5120xf32, #tpu.memory_space<vmem>>) dst(%dma_wait3A_89 : memref<5120xf32, #tpu.memory_space<hbm>>)
    %dma_wait3A_92 = arith.constant 10240 : i32
    %dma_wait3A_93 = tpu.memref_slice %arg10[%dma_wait3A_92] : memref<20480xf32, #tpu.memory_space<vmem>> -> memref<5120xf32, #tpu.memory_space<vmem>>
    %dma_wait3A_94 = arith.constant 10240 : i32
    %dma_wait3A_95 = tpu.memref_slice %arg6[%dma_wait3A_94] : memref<51200000xf32, #tpu.memory_space<hbm>> -> memref<5120xf32, #tpu.memory_space<hbm>>
    %dma_wait3A_96 = arith.constant 10240 : i32
    %dma_wait3A_97 = tpu.memref_slice %arg6[%dma_wait3A_96] : memref<51200000xf32, #tpu.memory_space<hbm>> -> memref<5120xf32, #tpu.memory_space<hbm>>
    %dma_wait3A_98 = arith.constant 10240 : i32
    %dma_wait3A_99 = tpu.memref_slice %arg10[%dma_wait3A_98] : memref<20480xf32, #tpu.memory_space<vmem>> -> memref<5120xf32, #tpu.memory_space<vmem>>
    tpu.wait_dma2 semaphore(%arg18 : memref<!tpu.dma_semaphore, #tpu.memory_space<semaphore_mem>>) src(%dma_wait3A_99 : memref<5120xf32, #tpu.memory_space<vmem>>) dst(%dma_wait3A_97 : memref<5120xf32, #tpu.memory_space<hbm>>)
    %dma_wait3A_100 = arith.constant 15360 : i32
    %dma_wait3A_101 = tpu.memref_slice %arg10[%dma_wait3A_100] : memref<20480xf32, #tpu.memory_space<vmem>> -> memref<5120xf32, #tpu.memory_space<vmem>>
    %dma_wait3A_102 = arith.constant 15360 : i32
    %dma_wait3A_103 = tpu.memref_slice %arg6[%dma_wait3A_102] : memref<51200000xf32, #tpu.memory_space<hbm>> -> memref<5120xf32, #tpu.memory_space<hbm>>
    %dma_wait3A_104 = arith.constant 15360 : i32
    %dma_wait3A_105 = tpu.memref_slice %arg6[%dma_wait3A_104] : memref<51200000xf32, #tpu.memory_space<hbm>> -> memref<5120xf32, #tpu.memory_space<hbm>>
    %dma_wait3A_106 = arith.constant 15360 : i32
    %dma_wait3A_107 = tpu.memref_slice %arg10[%dma_wait3A_106] : memref<20480xf32, #tpu.memory_space<vmem>> -> memref<5120xf32, #tpu.memory_space<vmem>>
    tpu.wait_dma2 semaphore(%arg18 : memref<!tpu.dma_semaphore, #tpu.memory_space<semaphore_mem>>) src(%dma_wait3A_107 : memref<5120xf32, #tpu.memory_space<vmem>>) dst(%dma_wait3A_105 : memref<5120xf32, #tpu.memory_space<hbm>>)
    return
  }
}

</mosaic_0001>

<sc_bundles>
// kernel: kernel.3.cloned.1.call-start
scs
__scs_entry_jumppad:
0x0: {  	(pc) =	sbr.rel $0x88, $3  }
0x1: {  	(tag) =	ssettag $0x0;
	lr =	simm.s32 $0x1  }
0x2: {  	[smem:$0x3F9D] =	sst lr;
	_ =	strace $0xD0000000  }
0x3: {  	_ = 	snop  }
0x4: {  	_ = 	snop  }
0x5: {  	_ = 	snop  }
0x6: {  	_ = 	snop  }
0x7: {  	_ = 	snop  }
__scs_overlays_trampoline_lowered:
0x8: {  	[smem:$0x3FAC] =	sst s0  }
0x9: {  	[smem:$0x3FAD] =	sst s1  }
0xa: {  	[smem:$0x3FAE] =	sst s2  }
0xb: {  	[smem:$0x3FAF] =	sst s3  }
0xc: {  	[smem:$0x3FB0] =	sst s4  }
0xd: {  	[smem:$0x3FB1] =	sst s5  }
0xe: {  	[smem:$0x3FB2] =	sst s6  }
0xf: {  	[smem:$0x3FB3] =	sst s7  }
0x10: {  	[smem:$0x3FB4] =	sst s8  }
0x11: {  	[smem:$0x3FB5] =	sst s9;
	s0 =	simm.s32 @!p0 $0x0  }
0x12: {  	s1 =	sld [smem:$0x3F9B];
	s0 =	simm.s32 @p0 $0x1  }
0x13: {  	[smem:$0x3FB6] =	sst s0;
	s0 =	simm.s32 @!p1 $0x0  }
0x14: {  	s2 =	sld [smem:$0x3F9A];
	s0 =	simm.s32 @p1 $0x1  }
0x15: {  	[smem:$0x3FB7] =	sst s0;
	s0 =	simm.s32 @!p2 $0x0  }
0x16: {  	s3 =	sld [smem:$0x3FDB];
	s0 =	simm.s32 @p2 $0x1  }
0x17: {  	s4 =	simm.s32 $0x1BF5;
	[smem:$0x3FB9] =	sst s0  }
0x18: {  	s0 =	sld [smem:$0x3F9C];
	_ =	swait.ge [sflag:s4], $0x0  }
0x19: {  	s7 =	sld [smem:$0x3F9D]  }
0x1a: {  	s8 =	sadd.s32 $0xFFFFE003, lr  }
0x1b: {  	s9 =	sadd.s32 $0xFFFFFEF7, lr;
	s5 =	simm.s32 $0xFFFFFFFF;
	p2 =	slt.u32 s8, $0xFFFFF086  }
0x1c: {  	p1 =	slt.u32 s9, $0xF7A;
	s5 =	simm.s32 @!p2 $0x0  }
0x1d: {  	s5 =	simm.s32 @p1 $0x1;
	p0 =	seq.s32 s7, s2  }
0x1e: {  	s7 =	smul.u32 @!p0 $0xF7A, s2;
	p2 =	seq.s32 @!p0 s5, $0x0  }
0x1f: {  	s9 =	smul.u32 $0xF7A, s1;
	s8 =	simm.s32 @!p0 $0x1BF5;
	p2 =	por !p2, p0  }
0x20: {  	[sflag:s8] =	ssyncset.s32 @!p0 $0xFFFFF086;
	s6 =	sadd.s32 @!p0 s3, s7;
	s7 =	simm.s32 @!p0 $0x108  }
0x21: {  	s3 =	sadd.s32 s3, s9;
	s6 =	sadd.s32 @!p0 $0x88, s6;
	s7 =	simm.s32 @p2 $0x1082  }
0x22: {  	[simem:s7], [sflag:s8] =	dma.local @!p0 [hbm:s6], $0xF7A  }
0x23: {  	s9 =	sor.u32 $0xD0000000, s2;
	s6 =	simm.s32 $0x108;
	_ =	swait.ge @!p0 [sflag:s8], $0x0  }
0x24: {  	s3 =	sadd.s32 $0x88, s3;
	s6 =	simm.s32 @!p1 $0x1082;
	[sflag:s4] =	ssyncset.s32 $0xFFFFF086  }
0x25: {  	[simem:s6], [sflag:s4] =	dma.local [hbm:s3], $0xF7A  }
0x26: {  	[smem:$0x3F9D] =	sst s1;
	(tag) =	ssettag s2;
	_ =	strace s9  }
0x27: {  	s1 =	sld [smem:$0x3FAD]  }
0x28: {  	s2 =	sld [smem:$0x3FAE]  }
0x29: {  	s4 =	sld [smem:$0x3FB0]  }
0x2a: {  	p0 =	seq.s32 s5, $0x0;
	s5 =	sld [smem:$0x3FB1]  }
0x2b: {  	s6 =	sld [smem:$0x3FB2]  }
0x2c: {  	s7 =	sld [smem:$0x3FB3]  }
0x2d: {  	s3 =	simm.s32 $0x108;
	s8 =	sld [smem:$0x3FB4]  }
0x2e: {  	s3 =	simm.s32 @!p0 $0x1082;
	s9 =	sld [smem:$0x3FB5]  }
0x2f: {  	lr =	sadd.s32 s0, s3;
	s0 =	sld [smem:$0x3FAC]  }
0x30: {  	s3 =	sld [smem:$0x3FAF]  }
0x31: {  	[smem:$0x3FB8] =	sst s10  }
0x32: {  	s10 =	sld [smem:$0x3FB6];
	_ =	sdelay $0x3  }
0x33: {  	p0 =	seq.s32 s10, $0x1;
	s10 =	sld [smem:$0x3FB8];
	_ =	sdelay $0x3  }
0x34: {  	[smem:$0x3FB8] =	sst s10  }
0x35: {  	s10 =	sld [smem:$0x3FB7];
	_ =	sdelay $0x3  }
0x36: {  	p1 =	seq.s32 s10, $0x1;
	s10 =	sld [smem:$0x3FB8];
	_ =	sdelay $0x3  }
0x37: {  	[smem:$0x3FB8] =	sst s10  }
0x38: {  	s10 =	sld [smem:$0x3FB9]  }
0x39: {  	_ = 	snop;
	(pc) =	sbr.ind lr, $3  }
0x3a: {  	_ = 	snop  }
0x3b: {  	_ = 	snop  }
0x3c: {  	p2 =	seq.s32 s10, $0x1;
	s10 =	sld [smem:$0x3FB8]  }
0x3d: {  	_ =	shalt  }
0x3e: {  	_ =	shalt  }
0x3f: {  	_ =	shalt  }
0x40: {  	_ =	shalt  }
0x41: {  	_ =	shalt  }
0x42: {  	_ =	shalt  }
0x43: {  	_ =	shalt  }
0x44: {  	_ =	shalt  }
0x45: {  	_ =	shalt  }
0x46: {  	_ =	shalt  }
0x47: {  	_ =	shalt  }
0x48: {  	_ =	shalt  }
0x49: {  	_ =	shalt  }
0x4a: {  	_ =	shalt  }
0x4b: {  	_ =	shalt  }
0x4c: {  	_ =	shalt  }
0x4d: {  	_ =	shalt  }
0x4e: {  	_ =	shalt  }
0x4f: {  	_ =	shalt  }
0x50: {  	_ =	shalt  }
0x51: {  	_ =	shalt  }
0x52: {  	_ =	shalt  }
0x53: {  	_ =	shalt  }
0x54: {  	_ =	shalt  }
0x55: {  	_ =	shalt  }
0x56: {  	_ =	shalt  }
0x57: {  	_ =	shalt  }
0x58: {  	_ =	shalt  }
0x59: {  	_ =	shalt  }
0x5a: {  	_ =	shalt  }
0x5b: {  	_ =	shalt  }
0x5c: {  	_ =	shalt  }
0x5d: {  	_ =	shalt  }
0x5e: {  	_ =	shalt  }
0x5f: {  	_ =	shalt  }
0x60: {  	_ =	shalt  }
0x61: {  	_ =	shalt  }
0x62: {  	_ =	shalt  }
0x63: {  	_ =	shalt  }
0x64: {  	_ =	shalt  }
0x65: {  	_ =	shalt  }
0x66: {  	_ =	shalt  }
0x67: {  	_ =	shalt  }
0x68: {  	_ =	shalt  }
0x69: {  	_ =	shalt  }
0x6a: {  	_ =	shalt  }
0x6b: {  	_ =	shalt  }
0x6c: {  	_ =	shalt  }
0x6d: {  	_ =	shalt  }
0x6e: {  	_ =	shalt  }
0x6f: {  	_ =	shalt  }
0x70: {  	_ =	shalt  }
0x71: {  	_ =	shalt  }
0x72: {  	_ =	shalt  }
0x73: {  	_ =	shalt  }
0x74: {  	_ =	shalt  }
0x75: {  	_ =	shalt  }
0x76: {  	_ =	shalt  }
0x77: {  	_ =	shalt  }
0x78: {  	_ =	shalt  }
0x79: {  	_ =	shalt  }
0x7a: {  	_ =	shalt  }
0x7b: {  	_ =	shalt  }
0x7c: {  	_ =	shalt  }
0x7d: {  	_ =	shalt  }
0x7e: {  	_ =	shalt  }
0x7f: {  	_ =	shalt  }
0x80: {  	_ =	shalt  }
0x81: {  	_ =	shalt  }
0x82: {  	_ =	shalt  }
0x83: {  	_ =	shalt  }
0x84: {  	_ =	shalt  }
0x85: {  	_ =	shalt  }
0x86: {  	_ =	shalt  }
0x87: {  	_ =	shalt  }
.Lfunc_end0:
.L_simem_size_0:
called_computation_lowered:
.L_overlay_start_0:
0x88: {  	s2 =	sld [smem:$0x3FD9]  }
0x89: {  	s3 =	sld [smem:$0x3FFE];
	_ =	sdelay $0x1  }
0x8a: {  	s1 =	srdreg.scid  }
0x8b: {  	s0 =	sand.u32 $0x1, s1  }
0x8c: {  	s17 =	sshll.u32 s0, $0xA;
	s2 =	sadd.s32 s3, s2  }
0x8d: {  	s2 =	sadd.s32 s2, s17  }
0x8e: {  	[smem:$0x3FC4] =	sst s2  }
0x8f: {  	_ = 	snop  }
0x90: {  	s2 =	sld [smem:$0x3FD0];
	(tm) =	ssettm $0x1  }
0x91: {  	s18 =	sld [smem:$0x3FFB];
	_ =	sdelay $0x3  }
0x92: {  	_ =	strace s18  }
0x93: {  	s3 =	sld [smem:$0x3FFC];
	_ =	sdelay $0x3  }
0x94: {  	_ =	strace s3  }
0x95: {  	s3 =	sld [smem:$0x3FFD];
	_ =	sdelay $0x3  }
0x96: {  	_ =	strace s3  }
0x97: {  	_ =	strace $0x8FFFFFFF  }
0x98: {  	s19 =	sld [smem:$0x3FDB];
	_ =	sdelay $0x1  }
0x99: {  	s4 =	simm.s32 $_scs_section_size  }
0x9a: {  	s5 =	simm.s32 $_size__tile_overlayer_lowered;
	s6 =	simm.s32 $_tile_overlayer_lowered  }
0x9b: {  	s22 =	simm.s32 $0x1BFF;
	s21 =	sshll.u32 s6, $0x1;
	s3 =	sadd.s32 s4, s19  }
0x9c: {  	s7 =	simm.s32 $0x0;
	s20 =	sshll.u32 s5, $0x1;
	s5 =	sadd.s32 s21, s3  }
0x9d: {  	[timem:s7], [sflag:s22] =	dma.local [hbm:s5], s20  }
0x9e: {  	_ =	swait.ge [sflag:s22], s20  }
0x9f: {  	s4 =	ssub.s32 $0x0, s20;
	[sflag:s22] =	ssyncset.done $0x0  }
0xa0: {  	[sflag:s22] =	ssyncadd.s32 s4;
	_ =	sdelay $0x1  }
0xa1: {  	s23 =	simm.s32 $0x1B8B  }
0xa2: {  	_ =	swait.ge [sflag:s23], $0x1  }
0xa3: {  	[sflag:s23] =	ssyncset.done $0x0  }
0xa4: {  	s25 =	simm.s32 $0x1B8E;
	s24 =	sld [smem:$0x3FFE];
	[sflag:s23] =	ssyncadd.s32 $0xFFFFFFFF  }
0xa5: {  	s26 =	simm.s32 $execute0_lowered;
	[smem:$0x3FD2] =	sst s25  }
0xa6: {  	s5 =	sshll.u32 s26, $0x1;
	_ =	strace $0x80000046;
	[dreg:$0x1] =	wrdreg $0xFFFFFFFF  }
0xa7: {  	s28 =	simm.s32 $_size_execute0_lowered;
	s3 =	sadd.s32 s3, s5;
	[dreg:$0x0] =	wrdreg $0x0  }
0xa8: {  	s5 =	sshll.u32 s28, $0x1;
	[dreg:$0x2] =	wrdreg s3  }
0xa9: {  	[dreg:$0x3] =	wrdreg s5  }
0xaa: {  	[dreg:$0x4] =	wrdreg $0xC0  }
0xab: {  	_ =	task [dreg:s7], $0x5FFFF  }
0xac: {  	[dreg:$0x1] =	wrdreg $0xFFFFFFFF  }
0xad: {  	[dreg:$0x0] =	wrdreg $0x60  }
0xae: {  	[dreg:$0x2] =	wrdreg s24  }
0xaf: {  	[dreg:$0x3] =	wrdreg s2  }
0xb0: {  	[dreg:$0x4] =	wrdreg $0x9  }
0xb1: {  	_ =	task.clear_ibuf [dreg:s7], $0x5FFFF;
	_ =	strace $0x90000046  }
0xb2: {  	s29 =	simm.s32 $0x9;
	_ =	strace $0x80000048  }
0xb3: {  	_ =	swait.ge [sflag:s29], $0x1  }
0xb4: {  	[sflag:s29] =	ssyncadd.s32 $0xFFFFFFFF  }
0xb5: {  	_ =	strace $0x90000048  }
0xb6: {  	_ =	sfence  }
0xb7: {  	s30 =	sld [smem:$0x0];
	_ =	sdelay $0x2  }
0xb8: {  	s31 =	sshll.u32 s1, $0xD;
	s1 =	sshrl.u32 s1, $0x2  }
0xb9: {  	s3 =	sand.u32 $0x4000, s31;
	s1 =	sadd.s32 s1, s30  }
0xba: {  	s0 =	sor.u32 s3, s0;
	s1 =	sshll.u32 s1, $0x11  }
0xbb: {  	s0 =	sor.u32 s1, s0  }
0xbc: {  	s0 =	sadd.s32 $0x8F2B, s0  }
0xbd: {  	[sflag:s0] =	ssyncadd.remote.s32 $0x1  }
0xbe: {  	_ =	sfence.sel $0xFFFF  }
0xbf: {  	[dreg:$0x0] =	wrdreg $0xFFFFFFFF;
	(pc) =	sbr.abs _section_cstart, $3  }
0xc0: {  	[dreg:$0x1] =	wrdreg $0xFFFFFFFF  }
0xc1: {  	_ =	task.clear_ibuf [dreg:s7], $0x2FFFF;
	_ =	strace $0x9FFFFFFF  }
0xc2: {  	(tm) =	ssettm $0x7FFFFFFF  }
0xc3: {  	_ =	shalt  }
tec
execute0_lowered:
.L_overlay_start_1:
0x0: {  	(tag) =	ssettag $0x1  }
0x1: {  	s2 =	rddreg [dreg:$0x0]  }
0x2: {  	s3 =	rddreg [dreg:$0x1]  }
0x3: {  	s4 =	simm.s32 $0x0;
	s0 =	srdreg.scid;
	s1 =	stileid.u32  }
0x4: {  	s18 =	simm.s32 $0x1;
	s19 =	simm.s32 $0xA500;
	s20 =	simm.s32 $0x500  }
0x5: {  	s21 =	simm.s32 $0x1900;
	s22 =	simm.s32 $0x2D00;
	s28 =	simm.s32 $0x7D00  }
0x6: {  	s29 =	simm.s32 $0x9100;
	s31 =	simm.s32 $0x4;
	[smem:$0x7FF] =	sst s4  }
0x7: {  	s0 =	sand.u32 $0x1, s0;
	s1 =	sshll.u32 s1, $0x1;
	s5 =	sadd.s32 $0x600, s2  }
0x8: {  	s23 =	sadd.s32 $0x400, s2;
	s2 =	sadd.s32 $0x200, s2;
	_ =	strace $0x80000047  }
0x9: {  	s6 =	sor.u32 s0, s1;
	[dreg:$0x3] =	wrdreg s23;
	s0 =	ssub.s32 $0x2, s0  }
0xa: {  	[dreg:$0x4] =	wrdreg s2;
	s23 =	simm.s32 $0x4100;
	s24 =	smul.u32 $0x280, s6  }
0xb: {  	s25 =	sshrl.u32 s0, $0x1;
	s7 =	smul.u32 $0x50, s6;
	s26 =	ssub.s32 $0x9E3, s6  }
.Ltmp0:
0xc: {  	s0 =	ssub.s32 s0, s25;
	s9 =	sshrl.u32 s26, $0x5;
	(pc) =	sbr.rel .LBB2_1-.Ltmp0, $4  }
0xd: {  	s25 =	simm.s32 $0x5500;
	s1 =	sshrl.u32 s24, $0x3;
	s30 =	sadd.s32 s5, s7  }
0xe: {  	s0 =	smax.u32 s0, $0x1;
	[dreg:$0x5] =	wrdreg s30;
	s1 =	sadd.s32 s5, s1  }
0xf: {  	s26 =	simm.s32 $0x6900;
	[dreg:$0x7] =	wrdreg s0;
	s1 =	sadd.s32 $0xA00, s1  }
0x10: {  	s24 =	simm.s32 $0x2;
	s0 =	simm.s32 $0x0;
	[dreg:$0x6] =	wrdreg s1  }
.LBB2_13:
0x11: {  	s1 =	simm.s32 $0x3  }
0x12: {  	_ =	swait.ge [sflag:s1], $0x1400  }
0x13: {  	[sflag:s1] =	ssyncset.done $0x0  }
0x14: {  	[sflag:s1] =	ssyncadd.s32 $0xFFFFEC00  }
0x15: {  	_ =	swait.ge [sflag:s1], $0x1400  }
0x16: {  	[sflag:s1] =	ssyncset.done $0x0  }
0x17: {  	[sflag:s1] =	ssyncadd.s32 $0xFFFFEC00  }
0x18: {  	_ =	swait.ge [sflag:s1], $0x1400  }
0x19: {  	[sflag:s1] =	ssyncset.done $0x0  }
0x1a: {  	[sflag:s1] =	ssyncadd.s32 $0xFFFFEC00  }
0x1b: {  	_ =	swait.ge [sflag:s1], $0x1400  }
0x1c: {  	[sflag:s1] =	ssyncset.done $0x0  }
0x1d: {  	[sflag:s1] =	ssyncadd.s32 $0xFFFFEC00  }
0x1e: {  	_ =	swait.ge [sflag:s31], $0x1400  }
0x1f: {  	[sflag:s31] =	ssyncset.done $0x0  }
0x20: {  	[sflag:s31] =	ssyncadd.s32 $0xFFFFEC00  }
0x21: {  	_ =	swait.ge [sflag:s31], $0x1400  }
0x22: {  	[sflag:s31] =	ssyncset.done $0x0  }
0x23: {  	[sflag:s31] =	ssyncadd.s32 $0xFFFFEC00  }
0x24: {  	_ =	swait.ge [sflag:s31], $0x1400  }
0x25: {  	[sflag:s31] =	ssyncset.done $0x0  }
0x26: {  	[sflag:s31] =	ssyncadd.s32 $0xFFFFEC00  }
0x27: {  	_ =	swait.ge [sflag:s31], $0x1400  }
0x28: {  	s0 =	sadd.s32 $0x1, s0;
	s30 =	rddreg [dreg:$0x7]  }
0x29: {  	p0 =	sne.s32 s0, s30  }
.Ltmp1:
0x2a: {  	_ = 	snop;
	(pc) =	sbr.rel @!p0 .LBB2_14-.Ltmp1, $3  }
0x2b: {  	_ =	sdelay $0x1  }
0x2c: {  	[sflag:s31] =	ssyncset.done $0x0  }
0x2d: {  	[sflag:s31] =	ssyncadd.s32 $0xFFFFEC00  }
.LBB2_1:
0x2e: {  	s1 =	rddreg [dreg:$0x5]  }
0x2f: {  	s30 =	rddreg [dreg:$0x6];
	s2 =	simm.s32 $0x280;
	s11 =	smulhi.u32 $0xAAAAAAAB, s4  }
0x30: {  	[tilespmem:s4], [sflag:$0x1] =	stream.linear.gather [hbm4b:s1+s4], $0x280, $0x38;
	[tilespmem:$0xCAC8] =	vst v63  }
0x31: {  	s7 =	simm.s32 $0xC708;
	s10 =	simm.s32 $0xC9C8;
	s1 =	sshrl.u32 s11, $0x3  }
0x32: {  	[tilespmem:s2], [sflag:$0x2] =	stream.linear.gather [hbm4b:s30+s4], $0x280, $0x38;
	[tilespmem:$0xCAC8] =	vst v63  }
0x33: {  	p0 =	por $0x0, $0x0;
	s2 =	rddreg [dreg:$0x3];
	s13 =	smul.u32 $0xFFFFFFF4, s1  }
0x34: {  	[tilespmem:s7], [sflag:$0x5] =	stream.linear.gather [hbm4b:s2+s4], $0x2C0, $0x38;
	[tilespmem:$0xCAC8] =	vst v63  }
0x35: {  	s14 =	smul.u32 $0xAAAB, s4;
	s15 =	sand.u32 $0x1, s4;
	s7 =	simm.s32 $0x5  }
0x36: {  	p2 =	seq.s32 s15, $0x1;
	s2 =	sadd.s32 $0x0, s13;
	_ =	swait.ge [sflag:s7], $0x2C0  }
0x37: {  	s1 =	smul.u32 $0x180, s1;
	p1 =	slt.s32 s2, $0x1;
	[sflag:s7] =	ssyncset.done $0x0  }
0x38: {  	s8 =	rddreg [dreg:$0x4];
	p2 =	por !p1, !p2;
	[sflag:s7] =	ssyncadd.s32 $0xFFFFFD40  }
0x39: {  	[tilespmem:s10], [sflag:$0x5] =	stream.linear.gather [hbm4b:s8+s4], $0xC0, $0x38;
	[tilespmem:$0xCAC8] =	vst v63  }
0x3a: {  	p1 =	por !p1, !p0;
	p2 =	por !p2, !p2;
	_ =	swait.ge [sflag:s7], $0xC0  }
0x3b: {  	p1 =	por !p1, !p1;
	s10 =	sand.u32 $0x8000, s2;
	[sflag:s7] =	ssyncset.done $0x0  }
0x3c: {  	s8 =	simm.s32 $0xCA88;
	s16 =	sshrl.u32 s10, $0xF;
	[sflag:s7] =	ssyncadd.s32 $0xFFFFFF40  }
0x3d: {  	s10 =	simm.s32 $0x1;
	s2 =	sadd.s32 s16, s2;
	s12 =	rddreg [dreg:$0x0]  }
0x3e: {  	[tilespmem:s8], [sflag:$0x5] =	stream.linear.gather [hbm4b:s12+s4], $0x40, $0x38;
	[tilespmem:$0xCAC8] =	vst v63  }
0x3f: {  	s2 =	sshll.u32 s2, $0x10;
	s8 =	simm.s32 $0x1;
	_ =	swait.ge [sflag:s7], $0x40  }
0x40: {  	s2 =	sshra.s32 s2, $0x11;
	s8 =	simm.s32 @!p2 $0x0;
	[sflag:s7] =	ssyncset.done $0x0  }
0x41: {  	s8 =	ssub.s32 s2, s8;
	[sflag:s7] =	ssyncadd.s32 $0xFFFFFFC0;
	s7 =	sshrl.u32 s14, $0xE  }
0x42: {  	s10 =	simm.s32 @!p1 $0x0;
	s17 =	sshll.u32 s8, $0x7;
	s11 =	sand.u32 $0x3FFE0, s7  }
0x43: {  	s2 =	ssub.s32 s2, s10;
	s8 =	sshra.s32 s17, $0x2;
	v0 =	vld [tilespmem:s11+$0xC708]  }
0x44: {  	s1 =	ssub.s32 $0x0, s1;
	s2 =	sshll.u32 s2, $0x6;
	v1 =	vld [tilespmem:s8+$0xC9C8]  }
0x45: {  	s30 =	ssub.s32 s1, s2  }
0x46: {  	v2 =	vld [tilespmem:s30+$0xCA88];
	_ =	sdelay $0x2  }
0x47: {  	v0 =	vadd.f32 v1, v0;
	_ =	sdelay $0x1  }
0x48: {  	s12 =	simm.s32 $0x1;
	v0 =	vadd.f32 v2, v0  }
0x49: {  	s15 =	smulhi.u32 $0xAAAAAAAB, s12  }
0x4a: {  	[tilespmem:s19+$0x0] =	vst v0  }
0x4b: {  	s13 =	simm.s32 $0xA521;
	s1 =	sshrl.u32 s15, $0x3;
	v0 =	vld [tilespmem:s11+$0xC718]  }
0x4c: {  	p0 =	por !p0, !p0;
	s10 =	simm.s32 $0x1;
	s16 =	smul.u32 $0xFFFFFFF4, s1;
	v1 =	vld [tilespmem:s8+$0xC9D8]  }
0x4d: {  	s14 =	simm.s32 $0x20;
	s7 =	simm.s32 $0x2;
	s2 =	simm.s32 $0x21  }
0x4e: {  	s17 =	sand.u32 $0x7FFF, s4;
	s15 =	sand.u32 $0x1, s12;
	v2 =	vld [tilespmem:s30+$0xCA98];
	s30 =	sadd.s32 $0x1, s16  }
0x4f: {  	s1 =	smul.u32 $0x180, s1;
	p6 =	seq.s32 s15, $0x1;
	s16 =	sand.u32 $0x8000, s30  }
0x50: {  	s8 =	smul.u32 $0xAAAB, s12;
	p5 =	slt.s32 s30, $0x1;
	s11 =	sshrl.u32 s16, $0xF  }
0x51: {  	p2 =	por !p5, !p6;
	p1 =	por !p5, !p0;
	s30 =	sadd.s32 s11, s30;
	v0 =	vadd.f32 v1, v0  }
0x52: {  	p2 =	por !p2, !p2;
	p1 =	por !p1, !p1;
	s11 =	simm.s32 $0x1  }
0x53: {  	s12 =	sshll.u32 s30, $0x10;
	s11 =	simm.s32 @!p2 $0x0;
	s10 =	simm.s32 @!p1 $0x0;
	v0 =	vadd.f32 v2, v0  }
.LBB2_2:
0x54: {  	s12 =	sshra.s32 s12, $0x11;
	s8 =	sshrl.u32 s8, $0xE  }
0x55: {  	s15 =	smov.u32 s7;
	s16 =	sadd.s32 $0x1, s7;
	s30 =	smov.u32 s2  }
0x56: {  	s11 =	ssub.s32 s12, s11;
	s8 =	sand.u32 $0x3FFE0, s8;
	s10 =	ssub.s32 s12, s10;
	[tilespmem:s17+$0xA510] =	vst v0  }
0x57: {  	s1 =	ssub.s32 s14, s1;
	s11 =	sshll.u32 s11, $0x7;
	s10 =	sshll.u32 s10, $0x6  }
0x58: {  	p1 =	sne.s32 s7, $0x107;
	v0 =	vld [tilespmem:s8+$0xC708];
	s7 =	sshra.s32 s11, $0x2;
	s1 =	ssub.s32 s1, s10  }
0x59: {  	v1 =	vld [tilespmem:s7+$0xC9C8];
	_ =	sdelay $0x1  }
0x5a: {  	v2 =	vld [tilespmem:s1+$0xCA88];
	_ =	sdelay $0x2  }
0x5b: {  	v0 =	vadd.f32 v1, v0;
	_ =	sdelay $0x1  }
0x5c: {  	v0 =	vadd.f32 v2, v0  }
0x5d: {  	s10 =	smulhi.u32 $0xAAAAAAAB, s15  }
0x5e: {  	[tilespmem:s13+$0x0] =	vst v0  }
0x5f: {  	s14 =	sadd.s32 $0x20, s14;
	s2 =	sadd.s32 $0x21, s2;
	v0 =	vld [tilespmem:s8+$0xC718];
	s8 =	sshrl.u32 s10, $0x3  }
0x60: {  	p0 =	por !p0, !p0;
	s17 =	sand.u32 $0x7FFF, s30;
	v1 =	vld [tilespmem:s7+$0xC9D8];
	s7 =	smul.u32 $0xFFFFFFF4, s8  }
0x61: {  	s13 =	sadd.s32 $0x21, s13;
	s10 =	sand.u32 $0x1, s15;
	v2 =	vld [tilespmem:s1+$0xCA98];
	s1 =	smul.u32 $0x180, s8  }
0x62: {  	p3 =	seq.s32 s10, $0x1;
	s8 =	smul.u32 $0xAAAB, s15;
	s7 =	sadd.s32 s7, s15  }
.Ltmp2:
0x63: {  	s11 =	sand.u32 $0x8000, s7;
	p2 =	slt.s32 s7, $0x1;
	(pc) =	sbr.rel @p1 .LBB2_2-.Ltmp2, $4  }
0x64: {  	s10 =	sshrl.u32 s11, $0xF;
	p3 =	por !p2, !p3;
	p2 =	por !p2, !p0  }
0x65: {  	s11 =	simm.s32 $0x1;
	v0 =	vadd.f32 v1, v0;
	s7 =	sadd.s32 s10, s7;
	p3 =	por !p3, !p3  }
0x66: {  	p2 =	por !p2, !p2;
	s10 =	simm.s32 $0x1;
	s12 =	sshll.u32 s7, $0x10  }
0x67: {  	s11 =	simm.s32 @!p3 $0x0;
	s10 =	simm.s32 @!p2 $0x0;
	s7 =	smov.u32 s16;
	v0 =	vadd.f32 v2, v0  }
0x68: {  	s7 =	sshra.s32 s12, $0x11  }
0x69: {  	s8 =	sshrl.u32 s8, $0xE;
	s11 =	ssub.s32 s7, s11  }
0x6a: {  	s8 =	sand.u32 $0x3FFE0, s8;
	[tilespmem:s17+$0xA510] =	vst v0;
	s11 =	sshll.u32 s11, $0x7  }
0x6b: {  	s7 =	ssub.s32 s7, s10;
	v0 =	vld [tilespmem:s8+$0xC708];
	s17 =	sshra.s32 s11, $0x2  }
0x6c: {  	s1 =	ssub.s32 s14, s1;
	s7 =	sshll.u32 s7, $0x6;
	v1 =	vld [tilespmem:s17+$0xC9C8]  }
0x6d: {  	s1 =	ssub.s32 s1, s7  }
0x6e: {  	v2 =	vld [tilespmem:s1+$0xCA88];
	_ =	sdelay $0x2  }
0x6f: {  	v0 =	vadd.f32 v1, v0;
	_ =	sdelay $0x1  }
0x70: {  	v0 =	vadd.f32 v2, v0;
	_ =	sdelay $0x1  }
0x71: {  	[tilespmem:s13+$0x0] =	vst v0  }
0x72: {  	v0 =	vld [tilespmem:s8+$0xC718]  }
0x73: {  	v62 =	vld [tilespmem:s17+$0xC9D8];
	_ =	sdelay $0x1  }
0x74: {  	v63 =	vld [tilespmem:s1+$0xCA98];
	_ =	sdelay $0x2  }
.Ltmp3:
0x75: {  	v0 =	vadd.f32 v62, v0;
	(pc) =	sbr.rel .LBB2_4-.Ltmp3, $4  }
0x76: {  	_ = 	snop  }
0x77: {  	v0 =	vadd.f32 v63, v0  }
0x78: {  	s30 =	sand.u32 $0x7FFF, s2  }
0x79: {  	s2 =	simm.s32 $0x0;
	[tilespmem:s30+$0xA510] =	vst v0  }
.LBB2_12:
0x7a: {  	s2 =	sadd.s32 $0x1, s2  }
0x7b: {  	p0 =	sne.s32 s2, $0x28  }
.Ltmp4:
0x7c: {  	_ = 	snop;
	(pc) =	sbr.rel @!p0 .LBB2_13-.Ltmp4, $1  }
0x7d: {  	_ =	sdelay $0x3  }
.LBB2_4:
0x7e: {  	s13 =	sshll.u32 s2, $0x1  }
0x7f: {  	p1 =	sge.u32 s13, s9  }
.Ltmp5:
0x80: {  	_ = 	snop;
	(pc) =	sbr.rel @p1 .LBB2_8-.Ltmp5, $2  }
0x81: {  	_ =	sdelay $0x2  }
0x82: {  	p0 =	seq.s32 s2, $0x0  }
0x83: {  	_ =	swait.ge [sflag:s18], $0x280  }
0x84: {  	[sflag:s18] =	ssyncset.done $0x0  }
0x85: {  	s1 =	simm.s32 @!p0 $0x3;
	[sflag:s18] =	ssyncadd.s32 $0xFFFFFD80  }
0x86: {  	_ =	swait.ge @!p0 [sflag:s1], $0x1400  }
0x87: {  	[sflag:s1] =	ssyncset.done @!p0 $0x0  }
0x88: {  	[sflag:s1] =	ssyncadd.s32 @!p0 $0xFFFFEC00  }
0x89: {  	_ =	swait.ge @!p0 [sflag:s1], $0x1400  }
0x8a: {  	[sflag:s1] =	ssyncset.done @!p0 $0x0  }
0x8b: {  	[sflag:s1] =	ssyncadd.s32 @!p0 $0xFFFFEC00  }
0x8c: {  	_ =	swait.ge @!p0 [sflag:s1], $0x1400  }
0x8d: {  	[sflag:s1] =	ssyncset.done @!p0 $0x0  }
0x8e: {  	[sflag:s1] =	ssyncadd.s32 @!p0 $0xFFFFEC00  }
0x8f: {  	_ =	swait.ge @!p0 [sflag:s1], $0x1400  }
0x90: {  	s14 =	simm.s32 $0x0;
	[sflag:s1] =	ssyncset.done @!p0 $0x0  }
0x91: {  	s16 =	simm.s32 $0x0;
	s17 =	simm.s32 $0x0;
	[sflag:s1] =	ssyncadd.s32 @!p0 $0xFFFFEC00  }
.LBB2_6:
0x92: {  	v0 =	vld [tilespmem:s16+$0x0];
	_ =	sdelay $0x4  }
0x93: {  	v1 =	vand.u32 $0xFF, v0;
	v2 =	vshrl.u32 v0, $0x7  }
0x94: {  	v0 =	vshra.s32 v0, $0x10;
	v1 =	vmul.u32 $0xC, v1;
	v2 =	vand.u32 $0x1FE, v2  }
0x95: {  	v0 =	vadd.s32 v0, v2  }
0x96: {  	v0 =	vadd.s32 v1, v0  }
0x97: {  	v0 =	vmul.u32 $0x21, v0;
	_ =	sdelay $0x1  }
0x98: {  	v47 =	vadd.s32 $0x1, v0  }
0x99: {  	v48 =	vadd.s32 $0x2, v0  }
0x9a: {  	v3 =	vadd.s32 $0x3, v0  }
0x9b: {  	v4 =	vadd.s32 $0x4, v0  }
0x9c: {  	v6 =	vadd.s32 $0x5, v0;
	v5 =	vld.idx.msk [tilespmem:v0+s19+$0x0], $0xffff  }
0x9d: {  	v7 =	vadd.s32 $0x6, v0;
	v1 =	vld.idx.msk [tilespmem:v47+s19+$0x0], $0xffff  }
0x9e: {  	v8 =	vadd.s32 $0x7, v0;
	v2 =	vld.idx.msk [tilespmem:v48+s19+$0x0], $0xffff  }
0x9f: {  	v9 =	vadd.s32 $0x8, v0;
	v3 =	vld.idx.msk [tilespmem:v3+s19+$0x0], $0xffff  }
0xa0: {  	v10 =	vadd.s32 $0x9, v0;
	v4 =	vld.idx.msk [tilespmem:v4+s19+$0x0], $0xffff  }
0xa1: {  	v11 =	vadd.s32 $0xA, v0;
	v6 =	vld.idx.msk [tilespmem:v6+s19+$0x0], $0xffff  }
0xa2: {  	v12 =	vadd.s32 $0xB, v0;
	v7 =	vld.idx.msk [tilespmem:v7+s19+$0x0], $0xffff  }
0xa3: {  	v13 =	vadd.s32 $0xC, v0;
	v8 =	vld.idx.msk [tilespmem:v8+s19+$0x0], $0xffff  }
0xa4: {  	v14 =	vadd.s32 $0xD, v0;
	v9 =	vld.idx.msk [tilespmem:v9+s19+$0x0], $0xffff  }
0xa5: {  	v15 =	vadd.s32 $0xE, v0;
	v10 =	vld.idx.msk [tilespmem:v10+s19+$0x0], $0xffff  }
0xa6: {  	v16 =	vadd.s32 $0xF, v0;
	v11 =	vld.idx.msk [tilespmem:v11+s19+$0x0], $0xffff  }
0xa7: {  	v12 =	vld.idx.msk [tilespmem:v12+s19+$0x0], $0xffff  }
0xa8: {  	v13 =	vld.idx.msk [tilespmem:v13+s19+$0x0], $0xffff  }
0xa9: {  	s1 =	sand.u32 $0x1C00, s14;
	s7 =	sand.u32 $0x70, s17;
	v14 =	vld.idx.msk [tilespmem:v14+s19+$0x0], $0xffff  }
0xaa: {  	s1 =	sor.u32 s7, s1;
	v15 =	vld.idx.msk [tilespmem:v15+s19+$0x0], $0xffff  }
0xab: {  	v16 =	vld.idx.msk [tilespmem:v16+s19+$0x0], $0xffff;
	[tilespmem:s1+$0x500] =	vst v5  }
0xac: {  	[tilespmem:s1+$0x580] =	vst v1  }
0xad: {  	[tilespmem:s1+$0x600] =	vst v2  }
0xae: {  	[tilespmem:s1+$0x680] =	vst v3  }
0xaf: {  	[tilespmem:s1+$0x700] =	vst v4  }
0xb0: {  	[tilespmem:s1+$0x780] =	vst v6  }
0xb1: {  	[tilespmem:s1+$0x800] =	vst v7  }
0xb2: {  	[tilespmem:s1+$0x880] =	vst v8  }
0xb3: {  	[tilespmem:s1+$0x1900] =	vst v9  }
0xb4: {  	[tilespmem:s1+$0x1980] =	vst v10  }
0xb5: {  	[tilespmem:s1+$0x1A00] =	vst v11  }
0xb6: {  	v49 =	vadd.s32 $0x10, v0;
	[tilespmem:s1+$0x1A80] =	vst v12  }
0xb7: {  	v50 =	vadd.s32 $0x11, v0;
	[tilespmem:s1+$0x1B00] =	vst v13  }
0xb8: {  	v51 =	vadd.s32 $0x12, v0;
	[tilespmem:s1+$0x1B80] =	vst v14  }
0xb9: {  	v52 =	vadd.s32 $0x13, v0;
	[tilespmem:s1+$0x1C00] =	vst v15  }
0xba: {  	v53 =	vadd.s32 $0x14, v0;
	[tilespmem:s1+$0x1C80] =	vst v16  }
0xbb: {  	v54 =	vadd.s32 $0x15, v0;
	v1 =	vld.idx.msk [tilespmem:v49+s19+$0x0], $0xffff  }
0xbc: {  	v55 =	vadd.s32 $0x16, v0;
	v2 =	vld.idx.msk [tilespmem:v50+s19+$0x0], $0xffff  }
0xbd: {  	v56 =	vadd.s32 $0x17, v0;
	v3 =	vld.idx.msk [tilespmem:v51+s19+$0x0], $0xffff  }
0xbe: {  	v57 =	vadd.s32 $0x18, v0;
	v4 =	vld.idx.msk [tilespmem:v52+s19+$0x0], $0xffff  }
0xbf: {  	v58 =	vadd.s32 $0x19, v0;
	v5 =	vld.idx.msk [tilespmem:v53+s19+$0x0], $0xffff  }
0xc0: {  	v59 =	vadd.s32 $0x1A, v0;
	v6 =	vld.idx.msk [tilespmem:v54+s19+$0x0], $0xffff  }
0xc1: {  	v60 =	vadd.s32 $0x1B, v0;
	v7 =	vld.idx.msk [tilespmem:v55+s19+$0x0], $0xffff  }
0xc2: {  	v61 =	vadd.s32 $0x1C, v0;
	v8 =	vld.idx.msk [tilespmem:v56+s19+$0x0], $0xffff  }
0xc3: {  	v62 =	vadd.s32 $0x1D, v0;
	v9 =	vld.idx.msk [tilespmem:v57+s19+$0x0], $0xffff  }
0xc4: {  	v63 =	vadd.s32 $0x1E, v0;
	v10 =	vld.idx.msk [tilespmem:v58+s19+$0x0], $0xffff  }
0xc5: {  	v0 =	vadd.s32 $0x1F, v0;
	v11 =	vld.idx.msk [tilespmem:v59+s19+$0x0], $0xffff  }
0xc6: {  	v12 =	vld.idx.msk [tilespmem:v60+s19+$0x0], $0xffff  }
0xc7: {  	v13 =	vld.idx.msk [tilespmem:v61+s19+$0x0], $0xffff  }
0xc8: {  	v14 =	vld.idx.msk [tilespmem:v62+s19+$0x0], $0xffff  }
0xc9: {  	v15 =	vld.idx.msk [tilespmem:v63+s19+$0x0], $0xffff  }
0xca: {  	v0 =	vld.idx.msk [tilespmem:v0+s19+$0x0], $0xffff;
	[tilespmem:s1+$0x2D00] =	vst v1  }
0xcb: {  	[tilespmem:s1+$0x2D80] =	vst v2  }
0xcc: {  	[tilespmem:s1+$0x2E00] =	vst v3  }
0xcd: {  	[tilespmem:s1+$0x2E80] =	vst v4  }
0xce: {  	[tilespmem:s1+$0x2F00] =	vst v5  }
0xcf: {  	[tilespmem:s1+$0x2F80] =	vst v6  }
0xd0: {  	[tilespmem:s1+$0x3000] =	vst v7  }
0xd1: {  	[tilespmem:s1+$0x3080] =	vst v8  }
0xd2: {  	[tilespmem:s1+$0x4100] =	vst v9  }
0xd3: {  	[tilespmem:s1+$0x4180] =	vst v10  }
0xd4: {  	p1 =	sne.s32 s17, $0x270;
	[tilespmem:s1+$0x4200] =	vst v11  }
.Ltmp6:
0xd5: {  	[tilespmem:s1+$0x4280] =	vst v12;
	(pc) =	sbr.rel @p1 .LBB2_6-.Ltmp6, $4  }
0xd6: {  	[tilespmem:s1+$0x4300] =	vst v13  }
0xd7: {  	[tilespmem:s1+$0x4380] =	vst v14  }
0xd8: {  	[tilespmem:s1+$0x4400] =	vst v15  }
0xd9: {  	s16 =	sadd.s32 $0x10, s16;
	s14 =	sadd.s32 $0x80, s14;
	s17 =	sadd.s32 $0x10, s17;
	[tilespmem:s1+$0x4480] =	vst v0  }
0xda: {  	s1 =	sshll.u32 s2, $0x6  }
0xdb: {  	s1 =	sor.u32 s6, s1  }
0xdc: {  	s7 =	smul.u32 $0x280, s1  }
0xdd: {  	s1 =	smul.u32 $0x1400, s1;
	_ =	sdelay $0x1  }
0xde: {  	s7 =	sadd.s32 s3, s7;
	s1 =	sshrl.u32 s1, $0x3  }
0xdf: {  	[hbm4b:s7+s4] =	stream.linear.scatter [tilespmem:s20], [sflag:$0x3], $0x1400, $0x38;
	[tilespmem:$0xCAC8] =	vst v63  }
0xe0: {  	s1 =	sadd.s32 s3, s1;
	s7 =	sadd.s32 $0x2, s13  }
0xe1: {  	s17 =	sadd.s32 $0x186A00, s1;
	p1 =	sge.u32 s7, s9  }
0xe2: {  	[hbm4b:s17+s4] =	stream.linear.scatter [tilespmem:s21], [sflag:$0x3], $0x1400, $0x38;
	[tilespmem:$0xCAC8] =	vst v63  }
0xe3: {  	s7 =	sshll.u32 @!p1 s7, $0x5  }
0xe4: {  	s30 =	sadd.s32 $0x30D400, s1;
	s7 =	sor.u32 @!p1 s6, s7  }
0xe5: {  	[hbm4b:s30+s4] =	stream.linear.scatter [tilespmem:s22], [sflag:$0x3], $0x1400, $0x38;
	[tilespmem:$0xCAC8] =	vst v63  }
0xe6: {  	s1 =	sadd.s32 $0x493E00, s1;
	s7 =	smul.u32 @!p1 $0x50, s7  }
0xe7: {  	[hbm4b:s1+s4] =	stream.linear.scatter [tilespmem:s23], [sflag:$0x3], $0x1400, $0x38;
	[tilespmem:$0xCAC8] =	vst v63  }
0xe8: {  	s1 =	sadd.s32 @!p1 s5, s7;
	s7 =	simm.s32 @!p1 $0x0  }
0xe9: {  	[tilespmem:s7], [sflag:$0x1] =	stream.linear.gather @!p1 [hbm4b:s1+s7], $0x280, $0x38;
	[tilespmem:$0xCAC8] =	vst v63  }
.LBB2_8:
0xea: {  	s14 =	sor.u32 $0x1, s13  }
0xeb: {  	p1 =	sge.u32 s14, s9  }
.Ltmp7:
0xec: {  	_ = 	snop;
	(pc) =	sbr.rel @p1 .LBB2_12-.Ltmp7, $1  }
0xed: {  	_ =	sdelay $0x3  }
0xee: {  	_ =	swait.ge [sflag:s24], $0x280  }
0xef: {  	[sflag:s24] =	ssyncset.done $0x0  }
0xf0: {  	s1 =	simm.s32 @!p0 $0x4;
	[sflag:s24] =	ssyncadd.s32 $0xFFFFFD80  }
0xf1: {  	_ =	swait.ge @!p0 [sflag:s1], $0x1400  }
0xf2: {  	[sflag:s1] =	ssyncset.done @!p0 $0x0  }
0xf3: {  	[sflag:s1] =	ssyncadd.s32 @!p0 $0xFFFFEC00  }
0xf4: {  	_ =	swait.ge @!p0 [sflag:s1], $0x1400  }
0xf5: {  	[sflag:s1] =	ssyncset.done @!p0 $0x0  }
0xf6: {  	[sflag:s1] =	ssyncadd.s32 @!p0 $0xFFFFEC00  }
0xf7: {  	_ =	swait.ge @!p0 [sflag:s1], $0x1400  }
0xf8: {  	[sflag:s1] =	ssyncset.done @!p0 $0x0  }
0xf9: {  	[sflag:s1] =	ssyncadd.s32 @!p0 $0xFFFFEC00  }
0xfa: {  	_ =	swait.ge @!p0 [sflag:s1], $0x1400  }
0xfb: {  	s16 =	simm.s32 $0x280;
	[sflag:s1] =	ssyncset.done @!p0 $0x0  }
0xfc: {  	s17 =	simm.s32 $0x0;
	[sflag:s1] =	ssyncadd.s32 @!p0 $0xFFFFEC00;
	s1 =	simm.s32 $0x0  }
.LBB2_10:
0xfd: {  	v0 =	vld [tilespmem:s16+$0x0];
	_ =	sdelay $0x4  }
0xfe: {  	v1 =	vand.u32 $0xFF, v0;
	v2 =	vshrl.u32 v0, $0x7  }
0xff: {  	v0 =	vshra.s32 v0, $0x10;
	v1 =	vmul.u32 $0xC, v1;
	v2 =	vand.u32 $0x1FE, v2  }
0x100: {  	v0 =	vadd.s32 v0, v2  }
0x101: {  	v0 =	vadd.s32 v1, v0  }
0x102: {  	v0 =	vmul.u32 $0x21, v0;
	_ =	sdelay $0x1  }
0x103: {  	v47 =	vadd.s32 $0x1, v0  }
0x104: {  	v48 =	vadd.s32 $0x2, v0  }
0x105: {  	v3 =	vadd.s32 $0x3, v0  }
0x106: {  	v4 =	vadd.s32 $0x4, v0  }
0x107: {  	v6 =	vadd.s32 $0x5, v0;
	v5 =	vld.idx.msk [tilespmem:v0+s19+$0x0], $0xffff  }
0x108: {  	v7 =	vadd.s32 $0x6, v0;
	v1 =	vld.idx.msk [tilespmem:v47+s19+$0x0], $0xffff  }
0x109: {  	v8 =	vadd.s32 $0x7, v0;
	v2 =	vld.idx.msk [tilespmem:v48+s19+$0x0], $0xffff  }
0x10a: {  	v9 =	vadd.s32 $0x8, v0;
	v3 =	vld.idx.msk [tilespmem:v3+s19+$0x0], $0xffff  }
0x10b: {  	v10 =	vadd.s32 $0x9, v0;
	v4 =	vld.idx.msk [tilespmem:v4+s19+$0x0], $0xffff  }
0x10c: {  	v11 =	vadd.s32 $0xA, v0;
	v6 =	vld.idx.msk [tilespmem:v6+s19+$0x0], $0xffff  }
0x10d: {  	v12 =	vadd.s32 $0xB, v0;
	v7 =	vld.idx.msk [tilespmem:v7+s19+$0x0], $0xffff  }
0x10e: {  	v13 =	vadd.s32 $0xC, v0;
	v8 =	vld.idx.msk [tilespmem:v8+s19+$0x0], $0xffff  }
0x10f: {  	v14 =	vadd.s32 $0xD, v0;
	v9 =	vld.idx.msk [tilespmem:v9+s19+$0x0], $0xffff  }
0x110: {  	v15 =	vadd.s32 $0xE, v0;
	v10 =	vld.idx.msk [tilespmem:v10+s19+$0x0], $0xffff  }
0x111: {  	v16 =	vadd.s32 $0xF, v0;
	v11 =	vld.idx.msk [tilespmem:v11+s19+$0x0], $0xffff  }
0x112: {  	v12 =	vld.idx.msk [tilespmem:v12+s19+$0x0], $0xffff  }
0x113: {  	v13 =	vld.idx.msk [tilespmem:v13+s19+$0x0], $0xffff  }
0x114: {  	s7 =	sand.u32 $0x1C00, s17;
	s8 =	sand.u32 $0x70, s1;
	v14 =	vld.idx.msk [tilespmem:v14+s19+$0x0], $0xffff  }
0x115: {  	s7 =	sor.u32 s8, s7;
	v15 =	vld.idx.msk [tilespmem:v15+s19+$0x0], $0xffff  }
0x116: {  	v16 =	vld.idx.msk [tilespmem:v16+s19+$0x0], $0xffff;
	[tilespmem:s7+$0x5500] =	vst v5  }
0x117: {  	[tilespmem:s7+$0x5580] =	vst v1  }
0x118: {  	[tilespmem:s7+$0x5600] =	vst v2  }
0x119: {  	[tilespmem:s7+$0x5680] =	vst v3  }
0x11a: {  	[tilespmem:s7+$0x5700] =	vst v4  }
0x11b: {  	[tilespmem:s7+$0x5780] =	vst v6  }
0x11c: {  	[tilespmem:s7+$0x5800] =	vst v7  }
0x11d: {  	[tilespmem:s7+$0x5880] =	vst v8  }
0x11e: {  	[tilespmem:s7+$0x6900] =	vst v9  }
0x11f: {  	[tilespmem:s7+$0x6980] =	vst v10  }
0x120: {  	[tilespmem:s7+$0x6A00] =	vst v11  }
0x121: {  	v49 =	vadd.s32 $0x10, v0;
	[tilespmem:s7+$0x6A80] =	vst v12  }
0x122: {  	v50 =	vadd.s32 $0x11, v0;
	[tilespmem:s7+$0x6B00] =	vst v13  }
0x123: {  	v51 =	vadd.s32 $0x12, v0;
	[tilespmem:s7+$0x6B80] =	vst v14  }
0x124: {  	v52 =	vadd.s32 $0x13, v0;
	[tilespmem:s7+$0x6C00] =	vst v15  }
0x125: {  	v53 =	vadd.s32 $0x14, v0;
	[tilespmem:s7+$0x6C80] =	vst v16  }
0x126: {  	v54 =	vadd.s32 $0x15, v0;
	v1 =	vld.idx.msk [tilespmem:v49+s19+$0x0], $0xffff  }
0x127: {  	v55 =	vadd.s32 $0x16, v0;
	v2 =	vld.idx.msk [tilespmem:v50+s19+$0x0], $0xffff  }
0x128: {  	v56 =	vadd.s32 $0x17, v0;
	v3 =	vld.idx.msk [tilespmem:v51+s19+$0x0], $0xffff  }
0x129: {  	v57 =	vadd.s32 $0x18, v0;
	v4 =	vld.idx.msk [tilespmem:v52+s19+$0x0], $0xffff  }
0x12a: {  	v58 =	vadd.s32 $0x19, v0;
	v5 =	vld.idx.msk [tilespmem:v53+s19+$0x0], $0xffff  }
0x12b: {  	v59 =	vadd.s32 $0x1A, v0;
	v6 =	vld.idx.msk [tilespmem:v54+s19+$0x0], $0xffff  }
0x12c: {  	v60 =	vadd.s32 $0x1B, v0;
	v7 =	vld.idx.msk [tilespmem:v55+s19+$0x0], $0xffff  }
0x12d: {  	v61 =	vadd.s32 $0x1C, v0;
	v8 =	vld.idx.msk [tilespmem:v56+s19+$0x0], $0xffff  }
0x12e: {  	v62 =	vadd.s32 $0x1D, v0;
	v9 =	vld.idx.msk [tilespmem:v57+s19+$0x0], $0xffff  }
0x12f: {  	v63 =	vadd.s32 $0x1E, v0;
	v10 =	vld.idx.msk [tilespmem:v58+s19+$0x0], $0xffff  }
0x130: {  	v0 =	vadd.s32 $0x1F, v0;
	v11 =	vld.idx.msk [tilespmem:v59+s19+$0x0], $0xffff  }
0x131: {  	v12 =	vld.idx.msk [tilespmem:v60+s19+$0x0], $0xffff  }
0x132: {  	v13 =	vld.idx.msk [tilespmem:v61+s19+$0x0], $0xffff  }
0x133: {  	v14 =	vld.idx.msk [tilespmem:v62+s19+$0x0], $0xffff  }
0x134: {  	v15 =	vld.idx.msk [tilespmem:v63+s19+$0x0], $0xffff  }
0x135: {  	v0 =	vld.idx.msk [tilespmem:v0+s19+$0x0], $0xffff;
	[tilespmem:s7+$0x7D00] =	vst v1  }
0x136: {  	[tilespmem:s7+$0x7D80] =	vst v2  }
0x137: {  	[tilespmem:s7+$0x7E00] =	vst v3  }
0x138: {  	[tilespmem:s7+$0x7E80] =	vst v4  }
0x139: {  	[tilespmem:s7+$0x7F00] =	vst v5  }
0x13a: {  	[tilespmem:s7+$0x7F80] =	vst v6  }
0x13b: {  	[tilespmem:s7+$0x8000] =	vst v7  }
0x13c: {  	[tilespmem:s7+$0x8080] =	vst v8  }
0x13d: {  	[tilespmem:s7+$0x9100] =	vst v9  }
0x13e: {  	[tilespmem:s7+$0x9180] =	vst v10  }
0x13f: {  	p0 =	sne.s32 s1, $0x270;
	[tilespmem:s7+$0x9200] =	vst v11  }
.Ltmp8:
0x140: {  	[tilespmem:s7+$0x9280] =	vst v12;
	(pc) =	sbr.rel @p0 .LBB2_10-.Ltmp8, $4  }
0x141: {  	[tilespmem:s7+$0x9300] =	vst v13  }
0x142: {  	[tilespmem:s7+$0x9380] =	vst v14  }
0x143: {  	[tilespmem:s7+$0x9400] =	vst v15  }
0x144: {  	s16 =	sadd.s32 $0x10, s16;
	s17 =	sadd.s32 $0x80, s17;
	s1 =	sadd.s32 $0x10, s1;
	[tilespmem:s7+$0x9480] =	vst v0  }
0x145: {  	s1 =	sshll.u32 s14, $0x5  }
0x146: {  	s1 =	sor.u32 s6, s1  }
0x147: {  	s7 =	smul.u32 $0x280, s1  }
0x148: {  	s1 =	smul.u32 $0x1400, s1;
	_ =	sdelay $0x1  }
0x149: {  	s7 =	sadd.s32 s3, s7;
	s1 =	sshrl.u32 s1, $0x3  }
0x14a: {  	[hbm4b:s7+s4] =	stream.linear.scatter [tilespmem:s25], [sflag:$0x4], $0x1400, $0x38;
	[tilespmem:$0xCAC8] =	vst v63  }
0x14b: {  	s1 =	sadd.s32 s3, s1;
	s7 =	sadd.s32 $0x3, s13  }
0x14c: {  	s17 =	sadd.s32 $0x186A00, s1;
	p0 =	sge.u32 s7, s9  }
0x14d: {  	[hbm4b:s17+s4] =	stream.linear.scatter [tilespmem:s26], [sflag:$0x4], $0x1400, $0x38;
	[tilespmem:$0xCAC8] =	vst v63  }
0x14e: {  	s30 =	sadd.s32 $0x30D400, s1;
	s7 =	sshll.u32 @!p0 s7, $0x5  }
0x14f: {  	[hbm4b:s30+s4] =	stream.linear.scatter [tilespmem:s28], [sflag:$0x4], $0x1400, $0x38;
	[tilespmem:$0xCAC8] =	vst v63  }
.Ltmp9:
0x150: {  	s7 =	sor.u32 @!p0 s6, s7;
	(pc) =	sbr.rel .LBB2_12-.Ltmp9, $4  }
0x151: {  	s1 =	sadd.s32 $0x493E00, s1;
	s7 =	smul.u32 @!p0 $0x50, s7  }
0x152: {  	[hbm4b:s1+s4] =	stream.linear.scatter [tilespmem:s29], [sflag:$0x4], $0x1400, $0x38;
	[tilespmem:$0xCAC8] =	vst v63  }
0x153: {  	s8 =	simm.s32 @!p0 $0x280;
	s1 =	sadd.s32 @!p0 s5, s7;
	s7 =	simm.s32 @!p0 $0x0  }
0x154: {  	[tilespmem:s8], [sflag:$0x2] =	stream.linear.gather @!p0 [hbm4b:s1+s7], $0x280, $0x38;
	[tilespmem:$0xCAC8] =	vst v63  }
.LBB2_14:
0x155: {  	_ =	sfence.sel $0x180000  }
0x156: {  	[bflag:$0x0] =	sbarrier.arrive $0xFFFF  }
0x157: {  	_ =	strace $0x90000047  }
0x158: {  	s0 =	stileid.u32;
	[bflag:$0x2] =	sbarrier.arrive $0xFFFF  }
0x159: {  	p0 =	sne.s32 s0, $0x0;
	s0 =	rddreg [dreg:$0x2]  }
0x15a: {  	s0 =	sadd.s32 @!p0 $0x100000, s0  }
0x15b: {  	[sflag:s0] =	ssyncadd.tile.s32 @!p0 $0x1;
	_ =	shalt  }
.Lfunc_end2:
_tile_overlayer_lowered:
.L_overlay_start_2:
0x15c: {  	(tag) =	ssettag $0x2  }
0x15d: {  	s0 =	rddreg [dreg:$0x0];
	s2 =	stileid.u32  }
0x15e: {  	s1 =	rddreg [dreg:$0x1];
	p0 =	sne.s32 s2, $0x0  }
0x15f: {  	s3 =	rddreg [dreg:$0x2];
	[bflag:$0x3] =	sbarrier.arrive $0xFFFF;
	s2 =	simm.s32 @!p0 $0x1C05  }
0x160: {  	[timem:s3], [sflag:s2] =	dma.local @!p0 [hbm:s0], s1  }
0x161: {  	s0 =	simm.s32 @!p0 $0x5  }
0x162: {  	_ =	swait.ge @!p0 [sflag:s0], s1  }
0x163: {  	s1 =	ssub.s32 @!p0 $0x0, s1;
	[sflag:s0] =	ssyncset.done @!p0 $0x0  }
0x164: {  	[sflag:s0] =	ssyncadd.s32 @!p0 s1  }
0x165: {  	[bflag:$0x3] =	sbarrier.arrive $0xFFFF  }
0x166: {  	_ =	shalt  }

</sc_bundles>
